<compile_context>
chip_gen: v7x
topology: tpu7x:2x2x1
jax: 0.10.2.dev20260603
libtpu: 0.0.44.dev20260713+nightly
codegen_flags: <defaults>
</compile_context>

<pallas_src>
import functools

import jax
import jax.numpy as jnp
from jax import lax
from jax.experimental import pallas as pl
from jax.experimental.pallas import tpu as pltpu
from jax.experimental.pallas import tpu_sc as plsc

_NCORES = 2
_NSUB = 16
_NW = _NCORES * _NSUB
_C = 80
_HD = 64
_DW = 8
_L = 16
_NBUF = 5
_LOOK = 3


def _tc_project(features, W_fc, W_tfc):
    N, D = features.shape
    RB = 1000
    assert N % RB == 0 and D == 2 * _HD

    def interleave(zh):
        parts = []
        for m in range(_HD // 32):
            a = zh[:, 32 * m:32 * m + 16]
            b = zh[:, 32 * m + 16:32 * m + 32]
            parts.append(jnp.concatenate([a[:, :, None], b[:, :, None]],
                                         axis=2).reshape(RB, 32))
        return jnp.concatenate(parts, axis=1).astype(jnp.bfloat16)

    def body(x_ref, wfc_ref, wtfc_ref, zpa_ref, zpb_ref, zba_ref, zbb_ref,
             mz_ref):
        z = lax.dot_general(x_ref[...], wfc_ref[...], (((1,), (1,)), ((), ())),
                            preferred_element_type=jnp.float32)
        zpa_ref[...] = z[:, :_HD]
        zpb_ref[...] = z[:, _HD:]
        zba_ref[...] = interleave(z[:, :_HD])
        zbb_ref[...] = interleave(z[:, _HD:])
        mz_ref[...] = lax.dot_general(z, wtfc_ref[...], (((1,), (1,)), ((), ())),
                                      preferred_element_type=jnp.float32)

    return pl.pallas_call(
        body,
        grid=(N // RB,),
        in_specs=[pl.BlockSpec((RB, D), lambda i: (i, 0)),
                  pl.BlockSpec((D, D), lambda i: (0, 0)),
                  pl.BlockSpec((1, D), lambda i: (0, 0))],
        out_specs=[pl.BlockSpec((RB, _HD), lambda i: (i, 0)),
                   pl.BlockSpec((RB, _HD), lambda i: (i, 0)),
                   pl.BlockSpec((RB, _HD), lambda i: (i, 0)),
                   pl.BlockSpec((RB, _HD), lambda i: (i, 0)),
                   pl.BlockSpec((RB, 1), lambda i: (i, 0))],
        out_shape=[jax.ShapeDtypeStruct((N, _HD), jnp.float32),
                   jax.ShapeDtypeStruct((N, _HD), jnp.float32),
                   jax.ShapeDtypeStruct((N, _HD), jnp.bfloat16),
                   jax.ShapeDtypeStruct((N, _HD), jnp.bfloat16),
                   jax.ShapeDtypeStruct((N, 1), jnp.float32)],
    )(features, W_fc, W_tfc)


def _sc_aggregate(t, mz, src3d, dst3d, zpa, zpb):
    N = t.shape[0]
    C = src3d.shape[2]
    RT = src3d.shape[1]
    NZ = N // C
    assert C == _C and N % C == 0 and RT % _NBUF == 0

    mesh = plsc.VectorSubcoreMesh(core_axis_name="c", subcore_axis_name="s",
                                  num_cores=_NCORES, num_subcores=_NSUB)

    @functools.partial(
        pl.kernel,
        out_type=[jax.ShapeDtypeStruct((2 * _NCORES * N, _HD), jnp.float32),
                  jax.ShapeDtypeStruct((_NW, N), jnp.float32)],
        mesh=mesh,
        scratch_types=[
            pltpu.VMEM((N,), jnp.float32),
            pltpu.VMEM((N,), jnp.float32),
            pltpu.VMEM((RT, C), jnp.int32),
            pltpu.VMEM((RT, C), jnp.int32),
            pltpu.VMEM((C + _L,), jnp.float32),
            pltpu.VMEM((_NBUF, C, _HD), jnp.bfloat16),
            pltpu.VMEM((_NBUF, C, _HD), jnp.float32),
            pltpu.VMEM((N,), jnp.float32),
            pltpu.VMEM_SHARED((N, _HD), jnp.float32),
        ] + [pltpu.SemaphoreType.DMA((_NBUF,)), pltpu.SemaphoreType.DMA((_NBUF,))],
        compiler_params=pltpu.CompilerParams(use_tc_tiling_on_sc=False,
                                             needs_layout_passes=False),
    )
    def agg(t_h, mz_h, src_h, dst_h, zpa_h, zpb_h, h_h, d_h,
            t_loc, mz_loc, src_loc, dst_loc, s_chunk, gring, rows, dn, sh,
            gsem, ssem):
        cid = lax.axis_index("c")
        sid = lax.axis_index("s")
        wid = cid * _NSUB + sid

        pltpu.sync_copy(t_h, t_loc)
        pltpu.sync_copy(mz_h, mz_loc)
        pltpu.sync_copy(src_h.at[wid], src_loc)
        pltpu.sync_copy(dst_h.at[wid], dst_loc)

        @pl.loop(0, N // _L)
        def _zero_dn(k):
            dn[pl.ds(k * _L, _L)] = jnp.zeros((_L,), jnp.float32)

        def zero_rows():
            @pl.loop(0, C)
            def _zero(r):
                for j in range(_HD // _L):
                    rows[0, r, pl.ds(j * _L, _L)] = jnp.zeros((_L,), jnp.float32)

        def zero_my_slabs():
            @pl.loop(sid, NZ, step=_NSUB)
            def _z(k):
                pltpu.sync_copy(rows.at[0], sh.at[pl.ds(k * C, C)])

        nbuf = jnp.int32(_NBUF)

        zero_rows()
        zero_my_slabs()
        plsc.subcore_barrier()

        for p, zp_h in ((0, zpa_h), (1, zpb_h)):
            def gather_start(i, b):
                pltpu.async_copy(zp_h.at[src_loc.at[i]], gring.at[b],
                                 gsem.at[b])

            def gather_wait(b):
                pltpu.make_async_copy(zp_h.at[pl.ds(0, C)], gring.at[b],
                                      gsem.at[b]).wait()

            def scatter_start(i, b):
                pltpu.async_copy(rows.at[b], sh.at[dst_loc.at[i]], ssem.at[b],
                                 add=True)

            def scatter_wait(b):
                pltpu.make_async_copy(rows.at[b], sh.at[pl.ds(0, C)],
                                      ssem.at[b]).wait()

            @pl.loop(0, _LOOK)
            def _prime(j):
                gather_start(j, lax.rem(j, nbuf))

            @pl.loop(0, RT)
            def _chunk(i):
                b = lax.rem(i, nbuf)
                gather_wait(b)

                @pl.when(i >= _NBUF)
                def _wait_prev_scatter():
                    scatter_wait(b)

                for g in range(C // _L):
                    sl = pl.ds(g * _L, _L)
                    srcv = src_loc[i, sl]
                    dstv = dst_loc[i, sl]
                    ts = plsc.load_gather(t_loc, [srcv])
                    td = plsc.load_gather(t_loc, [dstv])
                    mzs = plsc.load_gather(mz_loc, [srcv])
                    sv = jnp.exp(mzs * jnp.abs(ts - td) * (-1.0 / 500.0))
                    s_chunk[pl.ds(g * _L, _L)] = sv
                    if p == 0:
                        plsc.addupdate_scatter(dn, [dstv], sv)
                @pl.loop(0, C)
                def _scale(r):
                    sv = s_chunk[pl.ds(r, _L)]
                    sb = jnp.full((_L,), sv[0], jnp.float32)
                    for m in range(_HD // 32):
                        x32 = gring[b, r, pl.ds(32 * m, 32)]
                        lo, hi = plsc.unpack(
                            x32, format=plsc.PackFormat.INTERLEAVED)
                        rows[b, r, pl.ds(32 * m, _L)] = lo * sb
                        rows[b, r, pl.ds(32 * m + _L, _L)] = hi * sb
                scatter_start(i, b)
                jj = i + _LOOK

                @pl.when(jj < RT)
                def _prefetch():
                    gather_start(jj, lax.rem(jj, nbuf))

            @pl.loop(RT - _NBUF, RT)
            def _tail(i):
                scatter_wait(lax.rem(i, nbuf))

            plsc.subcore_barrier()
            slab = jnp.int32(2 * p) + cid

            @pl.loop(sid, NZ, step=_NSUB)
            def _drain(k):
                pltpu.sync_copy(sh.at[pl.ds(k * C, C)],
                                h_h.at[pl.ds(slab * N + k * C, C)])
            if p == 0:
                pltpu.sync_copy(dn, d_h.at[wid])
                zero_rows()
                zero_my_slabs()
            plsc.subcore_barrier()

    return agg(t, mz, src3d, dst3d, zpa, zpb)


def _tc_combine(zpa, zpb, hflat, dflat):
    N = zpa.shape[0]
    RB = 1000
    nb = N // RB

    def body(zpa_ref, zpb_ref, h0_ref, h1_ref, h2_ref, h3_ref, d_ref,
             out_ref):
        ha = h0_ref[...] + h1_ref[...]
        hb = h2_ref[...] + h3_ref[...]
        ones = jnp.ones((_NW, 1), jnp.float32)
        d = lax.dot_general(d_ref[0], ones, (((0,), (0,)), ((), ())),
                            preferred_element_type=jnp.float32)
        d = jnp.where(d == 0.0, 1.0, d)
        out_ref[:, :_HD] = zpa_ref[...] + ha / d
        out_ref[:, _HD:] = zpb_ref[...] + hb / d

    hspec = lambda s: pl.BlockSpec((RB, _HD), lambda i, s=s: (i + s * nb, 0))
    return pl.pallas_call(
        body,
        grid=(nb,),
        in_specs=[pl.BlockSpec((RB, _HD), lambda i: (i, 0)),
                  pl.BlockSpec((RB, _HD), lambda i: (i, 0)),
                  hspec(0), hspec(1), hspec(2), hspec(3),
                  pl.BlockSpec((1, _NW, RB), lambda i: (i, 0, 0))],
        out_specs=pl.BlockSpec((RB, 2 * _HD), lambda i: (i, 0)),
        out_shape=jax.ShapeDtypeStruct((N, 2 * _HD), jnp.float32),
    )(zpa, zpb, hflat, hflat, hflat, hflat,
      dflat.reshape(_NW, nb, RB).transpose(1, 0, 2))


def kernel(features, t, edge_index, W_fc, W_tfc):
    N, D = features.shape
    E = edge_index.shape[1]
    assert E % (_NW * _C) == 0 and N % _C == 0
    zpa, zpb, zba, zbb, mz = _tc_project(features, W_fc, W_tfc)
    src3d = edge_index[0].reshape(_NW, E // (_NW * _C), _C)
    dst3d = edge_index[1].reshape(_NW, E // (_NW * _C), _C)
    hflat, dflat = _sc_aggregate(t, mz.reshape(N), src3d, dst3d, zba, zbb)
    return _tc_combine(zpa, zpb, hflat, dflat)

# --- scband reference (transcript-rebuilt; emitter-appended) ---
"""Pipeline reference for scband-tem-agg-layer-49400713838975 (READ-ONLY COPY).

The authoritative reference and input builder live on the scoring server;
editing this copy changes nothing except your own understanding.
"""

import jax, jax.numpy as jnp
import numpy as np

N = 10000
E = 320000
D = 128

def setup_inputs(seed: int = 0) -> dict:
    key = jax.random.key(seed)
    k1, k2, k3, k4, k5 = jax.random.split(key, 5)
    features = jax.random.normal(k1, (N, D), dtype=jnp.float32)
    t = jax.random.uniform(k2, (N,), dtype=jnp.float32) * 100.0
    edge_index = jax.random.randint(k3, (2, E), 0, N).astype(jnp.int32)
    # fc: Linear(in_dim, out_dim, bias=False), xavier_normal with relu gain
    gain = float(np.sqrt(2.0))
    std = gain * float(np.sqrt(2.0 / (D + D)))
    W_fc = jax.random.normal(k4, (D, D), dtype=jnp.float32) * std
    # temporal_fc: Linear(out_dim, 1, bias=False), default torch init ~ U(-1/sqrt(D), 1/sqrt(D))
    bound = 1.0 / float(np.sqrt(D))
    W_tfc = jax.random.uniform(k5, (1, D), dtype=jnp.float32, minval=-bound, maxval=bound)
    return {"features": features, "t": t, "edge_index": edge_index, "W_fc": W_fc, "W_tfc": W_tfc}

def reference(features, t, edge_index, W_fc, W_tfc):
    # z = self.fc(h)
    z = features @ W_fc.T
    src = edge_index[0]
    dst = edge_index[1]
    # edge_attention: e = -|t_src - t_dst| (detached in original -> stop_gradient)
    deltas = t[src] - t[dst]
    e = -jnp.abs(jax.lax.stop_gradient(deltas))  # [E]
    # reduce: alpha = softmax_over_neighbors(exp(temporal_fc(z_src) * e / 500))
    m = (z[src] @ W_tfc.T)[:, 0]  # [E]
    s = jnp.exp(m * e / 500.0)    # [E]
    seg_max = jax.ops.segment_max(s, dst, num_segments=N)
    seg_max = jnp.where(jnp.isfinite(seg_max), seg_max, 0.0)
    ex = jnp.exp(s - seg_max[dst])
    denom = jax.ops.segment_sum(ex, dst, num_segments=N)
    denom = jnp.where(denom == 0.0, 1.0, denom)
    alpha = ex / denom[dst]  # [E]
    h = jax.ops.segment_sum(alpha[:, None] * z[src], dst, num_segments=N)  # [N, D]
    # use_residual=True: z_dst + h (block dst nodes == all nodes here)
    return z + h

if __name__ == "__main__":
    import jax
    _d = setup_inputs()
    print(jax.jit(kernel)(*tuple(_d.values())))

</pallas_src>

<mosaic_0001>
#map = affine_map<(d0, d1) -> (0)>
#map1 = affine_map<(d0, d1) -> (0, 0, 0)>
#map2 = affine_map<(d0, d1) -> (0, 0)>
module attributes {stable_mosaic.version = 14 : i64} {
  func.func @agg(%arg0: i32, %arg1: i32, %arg2: memref<10000xf32, #tpu.memory_space<hbm>>, %arg3: memref<10000xf32, #tpu.memory_space<hbm>>, %arg4: memref<32x125x80xi32, #tpu.memory_space<hbm>>, %arg5: memref<32x125x80xi32, #tpu.memory_space<hbm>>, %arg6: memref<10000x64xbf16, #tpu.memory_space<hbm>>, %arg7: memref<10000x64xbf16, #tpu.memory_space<hbm>>, %arg8: memref<40000x64xf32, #tpu.memory_space<hbm>>, %arg9: memref<32x10000xf32, #tpu.memory_space<hbm>>, %arg10: memref<10000xf32, #tpu.memory_space<vmem>>, %arg11: memref<10000xf32, #tpu.memory_space<vmem>>, %arg12: memref<125x80xi32, #tpu.memory_space<vmem>>, %arg13: memref<125x80xi32, #tpu.memory_space<vmem>>, %arg14: memref<96xf32, #tpu.memory_space<vmem>>, %arg15: memref<5x80x64xbf16, #tpu.memory_space<vmem>>, %arg16: memref<5x80x64xf32, #tpu.memory_space<vmem>>, %arg17: memref<10000xf32, #tpu.memory_space<vmem>>, %arg18: memref<10000x64xf32, #tpu.memory_space<vmem_shared>>, %arg19: memref<5x!tpu.dma_semaphore, #tpu.memory_space<semaphore_mem>>, %arg20: memref<5x!tpu.dma_semaphore, #tpu.memory_space<semaphore_mem>>) attributes {dimension_semantics = [#tpu.dimension_semantics<core_parallel>, #tpu.dimension_semantics<subcore_parallel>], iteration_bounds = array<i64: 2, 16>, scalar_prefetch = 0 : i64, scratch_operands = 11 : i64, tpu.core_type = #tpu.core_type<sc_vector_subcore>, window_params = [{transform_indices = #map}, {transform_indices = #map}, {transform_indices = #map1}, {transform_indices = #map1}, {transform_indices = #map2}, {transform_indices = #map2}, {transform_indices = #map2}, {transform_indices = #map2}]} {
    %mul3A = arith.constant 16 : i32
    %mul3A_0 = arith.muli %arg0, %mul3A : i32
    %add3A = arith.addi %mul3A_0, %arg1 : i32
    "tpu.region"() ({
      %run_scoped3A = tpu.sem_alloc : memref<!tpu.dma_semaphore, #tpu.memory_space<semaphore_mem>>
      tpu.enqueue_dma source(%arg2 : memref<10000xf32, #tpu.memory_space<hbm>>) target(%arg10 : memref<10000xf32, #tpu.memory_space<vmem>>) target_semaphore(%run_scoped3A : memref<!tpu.dma_semaphore, #tpu.memory_space<semaphore_mem>>)
      tpu.wait_dma2 semaphore(%run_scoped3A : memref<!tpu.dma_semaphore, #tpu.memory_space<semaphore_mem>>) src(%arg2 : memref<10000xf32, #tpu.memory_space<hbm>>) dst(%arg10 : memref<10000xf32, #tpu.memory_space<vmem>>)
      tpu.yield
    }) : () -> ()
    "tpu.region"() ({
      %run_scoped3A = tpu.sem_alloc : memref<!tpu.dma_semaphore, #tpu.memory_space<semaphore_mem>>
      tpu.enqueue_dma source(%arg3 : memref<10000xf32, #tpu.memory_space<hbm>>) target(%arg11 : memref<10000xf32, #tpu.memory_space<vmem>>) target_semaphore(%run_scoped3A : memref<!tpu.dma_semaphore, #tpu.memory_space<semaphore_mem>>)
      tpu.wait_dma2 semaphore(%run_scoped3A : memref<!tpu.dma_semaphore, #tpu.memory_space<semaphore_mem>>) src(%arg3 : memref<10000xf32, #tpu.memory_space<hbm>>) dst(%arg11 : memref<10000xf32, #tpu.memory_space<vmem>>)
      tpu.yield
    }) : () -> ()
    "tpu.region"() ({
      %run_scoped3A = tpu.sem_alloc : memref<!tpu.dma_semaphore, #tpu.memory_space<semaphore_mem>>
      %dma_start3A = arith.constant 0 : i32
      %dma_start3A_128 = arith.constant 0 : i32
      %dma_start3A_129 = tpu.memref_slice %arg4[%add3A, %dma_start3A, %dma_start3A_128] : memref<32x125x80xi32, #tpu.memory_space<hbm>> -> memref<1x125x80xi32, #tpu.memory_space<hbm>>
      %dma_start3A_130 = tpu.memref_squeeze %dma_start3A_129 : memref<1x125x80xi32, #tpu.memory_space<hbm>> -> memref<125x80xi32, #tpu.memory_space<hbm>>
      %dma_start3A_131 = arith.constant 0 : i32
      %dma_start3A_132 = arith.constant 0 : i32
      %dma_start3A_133 = tpu.memref_slice %arg4[%add3A, %dma_start3A_131, %dma_start3A_132] : memref<32x125x80xi32, #tpu.memory_space<hbm>> -> memref<1x125x80xi32, #tpu.memory_space<hbm>>
      %dma_start3A_134 = tpu.memref_squeeze %dma_start3A_133 : memref<1x125x80xi32, #tpu.memory_space<hbm>> -> memref<125x80xi32, #tpu.memory_space<hbm>>
      tpu.enqueue_dma source(%dma_start3A_134 : memref<125x80xi32, #tpu.memory_space<hbm>>) target(%arg12 : memref<125x80xi32, #tpu.memory_space<vmem>>) target_semaphore(%run_scoped3A : memref<!tpu.dma_semaphore, #tpu.memory_space<semaphore_mem>>)
      %dma_wait3A = arith.constant 0 : i32
      %dma_wait3A_135 = arith.constant 0 : i32
      %dma_wait3A_136 = tpu.memref_slice %arg4[%add3A, %dma_wait3A, %dma_wait3A_135] : memref<32x125x80xi32, #tpu.memory_space<hbm>> -> memref<1x125x80xi32, #tpu.memory_space<hbm>>
      %dma_wait3A_137 = tpu.memref_squeeze %dma_wait3A_136 : memref<1x125x80xi32, #tpu.memory_space<hbm>> -> memref<125x80xi32, #tpu.memory_space<hbm>>
      %dma_wait3A_138 = arith.constant 0 : i32
      %dma_wait3A_139 = arith.constant 0 : i32
      %dma_wait3A_140 = tpu.memref_slice %arg4[%add3A, %dma_wait3A_138, %dma_wait3A_139] : memref<32x125x80xi32, #tpu.memory_space<hbm>> -> memref<1x125x80xi32, #tpu.memory_space<hbm>>
      %dma_wait3A_141 = tpu.memref_squeeze %dma_wait3A_140 : memref<1x125x80xi32, #tpu.memory_space<hbm>> -> memref<125x80xi32, #tpu.memory_space<hbm>>
      tpu.wait_dma2 semaphore(%run_scoped3A : memref<!tpu.dma_semaphore, #tpu.memory_space<semaphore_mem>>) src(%dma_wait3A_141 : memref<125x80xi32, #tpu.memory_space<hbm>>) dst(%arg12 : memref<125x80xi32, #tpu.memory_space<vmem>>)
      tpu.yield
    }) : () -> ()
    "tpu.region"() ({
      %run_scoped3A = tpu.sem_alloc : memref<!tpu.dma_semaphore, #tpu.memory_space<semaphore_mem>>
      %dma_start3A = arith.constant 0 : i32
      %dma_start3A_128 = arith.constant 0 : i32
      %dma_start3A_129 = tpu.memref_slice %arg5[%add3A, %dma_start3A, %dma_start3A_128] : memref<32x125x80xi32, #tpu.memory_space<hbm>> -> memref<1x125x80xi32, #tpu.memory_space<hbm>>
      %dma_start3A_130 = tpu.memref_squeeze %dma_start3A_129 : memref<1x125x80xi32, #tpu.memory_space<hbm>> -> memref<125x80xi32, #tpu.memory_space<hbm>>
      %dma_start3A_131 = arith.constant 0 : i32
      %dma_start3A_132 = arith.constant 0 : i32
      %dma_start3A_133 = tpu.memref_slice %arg5[%add3A, %dma_start3A_131, %dma_start3A_132] : memref<32x125x80xi32, #tpu.memory_space<hbm>> -> memref<1x125x80xi32, #tpu.memory_space<hbm>>
      %dma_start3A_134 = tpu.memref_squeeze %dma_start3A_133 : memref<1x125x80xi32, #tpu.memory_space<hbm>> -> memref<125x80xi32, #tpu.memory_space<hbm>>
      tpu.enqueue_dma source(%dma_start3A_134 : memref<125x80xi32, #tpu.memory_space<hbm>>) target(%arg13 : memref<125x80xi32, #tpu.memory_space<vmem>>) target_semaphore(%run_scoped3A : memref<!tpu.dma_semaphore, #tpu.memory_space<semaphore_mem>>)
      %dma_wait3A = arith.constant 0 : i32
      %dma_wait3A_135 = arith.constant 0 : i32
      %dma_wait3A_136 = tpu.memref_slice %arg5[%add3A, %dma_wait3A, %dma_wait3A_135] : memref<32x125x80xi32, #tpu.memory_space<hbm>> -> memref<1x125x80xi32, #tpu.memory_space<hbm>>
      %dma_wait3A_137 = tpu.memref_squeeze %dma_wait3A_136 : memref<1x125x80xi32, #tpu.memory_space<hbm>> -> memref<125x80xi32, #tpu.memory_space<hbm>>
      %dma_wait3A_138 = arith.constant 0 : i32
      %dma_wait3A_139 = arith.constant 0 : i32
      %dma_wait3A_140 = tpu.memref_slice %arg5[%add3A, %dma_wait3A_138, %dma_wait3A_139] : memref<32x125x80xi32, #tpu.memory_space<hbm>> -> memref<1x125x80xi32, #tpu.memory_space<hbm>>
      %dma_wait3A_141 = tpu.memref_squeeze %dma_wait3A_140 : memref<1x125x80xi32, #tpu.memory_space<hbm>> -> memref<125x80xi32, #tpu.memory_space<hbm>>
      tpu.wait_dma2 semaphore(%run_scoped3A : memref<!tpu.dma_semaphore, #tpu.memory_space<semaphore_mem>>) src(%dma_wait3A_141 : memref<125x80xi32, #tpu.memory_space<hbm>>) dst(%arg13 : memref<125x80xi32, #tpu.memory_space<vmem>>)
      tpu.yield
    }) : () -> ()
    %scan3A = arith.constant 0 : i32
    %scan3A_1 = arith.constant 625 : i32
    %scan3A_2 = arith.addi %scan3A, %scan3A_1 : i32
    %scan3A_3 = arith.constant 1 : i32
    scf.for %scan3A_128 = %scan3A to %scan3A_2 step %scan3A_3  : i32 {
      %mul3A_129 = arith.constant 1 : i32
      %mul3A_130 = arith.muli %scan3A_128, %mul3A_129 : i32
      %add3A_131 = arith.constant 0 : i32
      %add3A_132 = arith.addi %add3A_131, %mul3A_130 : i32
      %broadcast_in_dim3A = arith.constant 0.000000e+00 : f32
      %broadcast_in_dim3A_133 = vector.broadcast %broadcast_in_dim3A : f32 to vector<16xf32>
      %mul3A_134 = arith.constant 16 : i32
      %mul3A_135 = arith.muli %add3A_132, %mul3A_134 : i32
      %swap3A = arith.index_cast %mul3A_135 : i32 to index
      %swap3A_136 = tpu.vector_load %arg17[%swap3A] {strides = array<i32>} : memref<10000xf32, #tpu.memory_space<vmem>>, vector<16xf32>,
      tpu.vector_store %arg17[%swap3A], %broadcast_in_dim3A_133 {strides = array<i32>} : memref<10000xf32, #tpu.memory_space<vmem>>, vector<16xf32>,
    }
    %scan3A_4 = arith.constant 625 : i32
    %scan3A_5 = arith.constant 0 : i32
    %scan3A_6 = arith.constant 80 : i32
    %scan3A_7 = arith.addi %scan3A_5, %scan3A_6 : i32
    %scan3A_8 = arith.constant 1 : i32
    scf.for %scan3A_128 = %scan3A_5 to %scan3A_7 step %scan3A_8  : i32 {
      %mul3A_129 = arith.constant 1 : i32
      %mul3A_130 = arith.muli %scan3A_128, %mul3A_129 : i32
      %add3A_131 = arith.constant 0 : i32
      %add3A_132 = arith.addi %add3A_131, %mul3A_130 : i32
      %broadcast_in_dim3A = arith.constant 0.000000e+00 : f32
      %broadcast_in_dim3A_133 = vector.broadcast %broadcast_in_dim3A : f32 to vector<16xf32>
      %swap3A = arith.constant 0 : i32
      %swap3A_134 = arith.index_cast %swap3A : i32 to index
      %swap3A_135 = arith.index_cast %add3A_132 : i32 to index
      %swap3A_136 = arith.constant 0 : index
      %swap3A_137 = tpu.vector_load %arg16[%swap3A_134, %swap3A_135, %swap3A_136] {strides = array<i32>} : memref<5x80x64xf32, #tpu.memory_space<vmem>>, vector<16xf32>,
      tpu.vector_store %arg16[%swap3A_134, %swap3A_135, %swap3A_136], %broadcast_in_dim3A_133 {strides = array<i32>} : memref<5x80x64xf32, #tpu.memory_space<vmem>>, vector<16xf32>,
      %broadcast_in_dim3A_138 = arith.constant 0.000000e+00 : f32
      %broadcast_in_dim3A_139 = vector.broadcast %broadcast_in_dim3A_138 : f32 to vector<16xf32>
      %swap3A_140 = arith.constant 0 : i32
      %swap3A_141 = arith.index_cast %swap3A_140 : i32 to index
      %swap3A_142 = arith.index_cast %add3A_132 : i32 to index
      %swap3A_143 = arith.constant 16 : index
      %swap3A_144 = tpu.vector_load %arg16[%swap3A_141, %swap3A_142, %swap3A_143] {strides = array<i32>} : memref<5x80x64xf32, #tpu.memory_space<vmem>>, vector<16xf32>,
      tpu.vector_store %arg16[%swap3A_141, %swap3A_142, %swap3A_143], %broadcast_in_dim3A_139 {strides = array<i32>} : memref<5x80x64xf32, #tpu.memory_space<vmem>>, vector<16xf32>,
      %broadcast_in_dim3A_145 = arith.constant 0.000000e+00 : f32
      %broadcast_in_dim3A_146 = vector.broadcast %broadcast_in_dim3A_145 : f32 to vector<16xf32>
      %swap3A_147 = arith.constant 0 : i32
      %swap3A_148 = arith.index_cast %swap3A_147 : i32 to index
      %swap3A_149 = arith.index_cast %add3A_132 : i32 to index
      %swap3A_150 = arith.constant 32 : index
      %swap3A_151 = tpu.vector_load %arg16[%swap3A_148, %swap3A_149, %swap3A_150] {strides = array<i32>} : memref<5x80x64xf32, #tpu.memory_space<vmem>>, vector<16xf32>,
      tpu.vector_store %arg16[%swap3A_148, %swap3A_149, %swap3A_150], %broadcast_in_dim3A_146 {strides = array<i32>} : memref<5x80x64xf32, #tpu.memory_space<vmem>>, vector<16xf32>,
      %broadcast_in_dim3A_152 = arith.constant 0.000000e+00 : f32
      %broadcast_in_dim3A_153 = vector.broadcast %broadcast_in_dim3A_152 : f32 to vector<16xf32>
      %swap3A_154 = arith.constant 0 : i32
      %swap3A_155 = arith.index_cast %swap3A_154 : i32 to index
      %swap3A_156 = arith.index_cast %add3A_132 : i32 to index
      %swap3A_157 = arith.constant 48 : index
      %swap3A_158 = tpu.vector_load %arg16[%swap3A_155, %swap3A_156, %swap3A_157] {strides = array<i32>} : memref<5x80x64xf32, #tpu.memory_space<vmem>>, vector<16xf32>,
      tpu.vector_store %arg16[%swap3A_155, %swap3A_156, %swap3A_157], %broadcast_in_dim3A_153 {strides = array<i32>} : memref<5x80x64xf32, #tpu.memory_space<vmem>>, vector<16xf32>,
    }
    %scan3A_9 = arith.constant 80 : i32
    %sub3A = arith.constant 125 : i32
    %sub3A_10 = arith.subi %sub3A, %arg1 : i32
    %sub3A_11 = arith.constant 16 : i32
    %sub3A_12 = arith.constant 1 : i32
    %sub3A_13 = arith.subi %sub3A_11, %sub3A_12 : i32
    %add3A_14 = arith.addi %sub3A_10, %sub3A_13 : i32
    %div3A = arith.constant 16 : i32
    %div3A_15 = arith.divsi %add3A_14, %div3A : i32
    %while3A = arith.constant 16 : i32
    %while3A_16 = arith.constant 0 : i32
    %while3A_17 = arith.subi %div3A_15, %while3A_16 : i32
    %while3A_18 = arith.addi %while3A_16, %while3A_17 : i32
    %while3A_19 = arith.constant 1 : i32
    %while3A_20 = arith.divsi %while3A_17, %while3A_19 : i32
    %while3A_21 = arith.muli %while3A_20, %while3A_19 : i32
    %while3A_22 = arith.addi %while3A_16, %while3A_21 : i32
    %while3A_23 = arith.constant 1 : i32
    scf.for %while3A_128 = %while3A_16 to %while3A_22 step %while3A_23  : i32 {
      %mul3A_129 = arith.muli %while3A_128, %while3A : i32
      %add3A_130 = arith.addi %arg1, %mul3A_129 : i32
      %mul3A_131 = arith.constant 80 : i32
      %mul3A_132 = arith.muli %add3A_130, %mul3A_131 : i32
      %run_scoped3A = arith.constant 0 : i32
      "tpu.region"() ({
        %run_scoped3A_133 = tpu.sem_alloc : memref<!tpu.dma_semaphore, #tpu.memory_space<semaphore_mem>>
        %dma_start3A = arith.constant 0 : i32
        %dma_start3A_134 = arith.constant 0 : i32
        %dma_start3A_135 = tpu.memref_slice %arg16[%run_scoped3A, %dma_start3A, %dma_start3A_134] : memref<5x80x64xf32, #tpu.memory_space<vmem>> -> memref<1x80x64xf32, #tpu.memory_space<vmem>>
        %dma_start3A_136 = tpu.memref_squeeze %dma_start3A_135 : memref<1x80x64xf32, #tpu.memory_space<vmem>> -> memref<80x64xf32, #tpu.memory_space<vmem>>
        %dma_start3A_137 = arith.constant 0 : i32
        %dma_start3A_138 = tpu.memref_slice %arg18[%mul3A_132, %dma_start3A_137] : memref<10000x64xf32, #tpu.memory_space<vmem_shared>> -> memref<80x64xf32, #tpu.memory_space<vmem_shared>>
        %dma_start3A_139 = arith.constant 0 : i32
        %dma_start3A_140 = tpu.memref_slice %arg18[%mul3A_132, %dma_start3A_139] : memref<10000x64xf32, #tpu.memory_space<vmem_shared>> -> memref<80x64xf32, #tpu.memory_space<vmem_shared>>
        %dma_start3A_141 = arith.constant 0 : i32
        %dma_start3A_142 = arith.constant 0 : i32
        %dma_start3A_143 = tpu.memref_slice %arg16[%run_scoped3A, %dma_start3A_141, %dma_start3A_142] : memref<5x80x64xf32, #tpu.memory_space<vmem>> -> memref<1x80x64xf32, #tpu.memory_space<vmem>>
        %dma_start3A_144 = tpu.memref_squeeze %dma_start3A_143 : memref<1x80x64xf32, #tpu.memory_space<vmem>> -> memref<80x64xf32, #tpu.memory_space<vmem>>
        tpu.enqueue_dma source(%dma_start3A_144 : memref<80x64xf32, #tpu.memory_space<vmem>>) target(%dma_start3A_140 : memref<80x64xf32, #tpu.memory_space<vmem_shared>>) target_semaphore(%run_scoped3A_133 : memref<!tpu.dma_semaphore, #tpu.memory_space<semaphore_mem>>)
        %dma_wait3A = arith.constant 0 : i32
        %dma_wait3A_145 = arith.constant 0 : i32
        %dma_wait3A_146 = tpu.memref_slice %arg16[%run_scoped3A, %dma_wait3A, %dma_wait3A_145] : memref<5x80x64xf32, #tpu.memory_space<vmem>> -> memref<1x80x64xf32, #tpu.memory_space<vmem>>
        %dma_wait3A_147 = tpu.memref_squeeze %dma_wait3A_146 : memref<1x80x64xf32, #tpu.memory_space<vmem>> -> memref<80x64xf32, #tpu.memory_space<vmem>>
        %dma_wait3A_148 = arith.constant 0 : i32
        %dma_wait3A_149 = tpu.memref_slice %arg18[%mul3A_132, %dma_wait3A_148] : memref<10000x64xf32, #tpu.memory_space<vmem_shared>> -> memref<80x64xf32, #tpu.memory_space<vmem_shared>>
        %dma_wait3A_150 = arith.constant 0 : i32
        %dma_wait3A_151 = tpu.memref_slice %arg18[%mul3A_132, %dma_wait3A_150] : memref<10000x64xf32, #tpu.memory_space<vmem_shared>> -> memref<80x64xf32, #tpu.memory_space<vmem_shared>>
        %dma_wait3A_152 = arith.constant 0 : i32
        %dma_wait3A_153 = arith.constant 0 : i32
        %dma_wait3A_154 = tpu.memref_slice %arg16[%run_scoped3A, %dma_wait3A_152, %dma_wait3A_153] : memref<5x80x64xf32, #tpu.memory_space<vmem>> -> memref<1x80x64xf32, #tpu.memory_space<vmem>>
        %dma_wait3A_155 = tpu.memref_squeeze %dma_wait3A_154 : memref<1x80x64xf32, #tpu.memory_space<vmem>> -> memref<80x64xf32, #tpu.memory_space<vmem>>
        tpu.wait_dma2 semaphore(%run_scoped3A_133 : memref<!tpu.dma_semaphore, #tpu.memory_space<semaphore_mem>>) src(%dma_wait3A_155 : memref<80x64xf32, #tpu.memory_space<vmem>>) dst(%dma_wait3A_151 : memref<80x64xf32, #tpu.memory_space<vmem_shared>>)
        tpu.yield
      }) : () -> ()
    }
    %while3A_24 = arith.constant 1 : i32
    scf.for %while3A_128 = %while3A_22 to %while3A_18 step %while3A_24  : i32 {
      %mul3A_129 = arith.muli %while3A_128, %while3A : i32
      %add3A_130 = arith.addi %arg1, %mul3A_129 : i32
      %mul3A_131 = arith.constant 80 : i32
      %mul3A_132 = arith.muli %add3A_130, %mul3A_131 : i32
      %run_scoped3A = arith.constant 0 : i32
      "tpu.region"() ({
        %run_scoped3A_133 = tpu.sem_alloc : memref<!tpu.dma_semaphore, #tpu.memory_space<semaphore_mem>>
        %dma_start3A = arith.constant 0 : i32
        %dma_start3A_134 = arith.constant 0 : i32
        %dma_start3A_135 = tpu.memref_slice %arg16[%run_scoped3A, %dma_start3A, %dma_start3A_134] : memref<5x80x64xf32, #tpu.memory_space<vmem>> -> memref<1x80x64xf32, #tpu.memory_space<vmem>>
        %dma_start3A_136 = tpu.memref_squeeze %dma_start3A_135 : memref<1x80x64xf32, #tpu.memory_space<vmem>> -> memref<80x64xf32, #tpu.memory_space<vmem>>
        %dma_start3A_137 = arith.constant 0 : i32
        %dma_start3A_138 = tpu.memref_slice %arg18[%mul3A_132, %dma_start3A_137] : memref<10000x64xf32, #tpu.memory_space<vmem_shared>> -> memref<80x64xf32, #tpu.memory_space<vmem_shared>>
        %dma_start3A_139 = arith.constant 0 : i32
        %dma_start3A_140 = tpu.memref_slice %arg18[%mul3A_132, %dma_start3A_139] : memref<10000x64xf32, #tpu.memory_space<vmem_shared>> -> memref<80x64xf32, #tpu.memory_space<vmem_shared>>
        %dma_start3A_141 = arith.constant 0 : i32
        %dma_start3A_142 = arith.constant 0 : i32
        %dma_start3A_143 = tpu.memref_slice %arg16[%run_scoped3A, %dma_start3A_141, %dma_start3A_142] : memref<5x80x64xf32, #tpu.memory_space<vmem>> -> memref<1x80x64xf32, #tpu.memory_space<vmem>>
        %dma_start3A_144 = tpu.memref_squeeze %dma_start3A_143 : memref<1x80x64xf32, #tpu.memory_space<vmem>> -> memref<80x64xf32, #tpu.memory_space<vmem>>
        tpu.enqueue_dma source(%dma_start3A_144 : memref<80x64xf32, #tpu.memory_space<vmem>>) target(%dma_start3A_140 : memref<80x64xf32, #tpu.memory_space<vmem_shared>>) target_semaphore(%run_scoped3A_133 : memref<!tpu.dma_semaphore, #tpu.memory_space<semaphore_mem>>)
        %dma_wait3A = arith.constant 0 : i32
        %dma_wait3A_145 = arith.constant 0 : i32
        %dma_wait3A_146 = tpu.memref_slice %arg16[%run_scoped3A, %dma_wait3A, %dma_wait3A_145] : memref<5x80x64xf32, #tpu.memory_space<vmem>> -> memref<1x80x64xf32, #tpu.memory_space<vmem>>
        %dma_wait3A_147 = tpu.memref_squeeze %dma_wait3A_146 : memref<1x80x64xf32, #tpu.memory_space<vmem>> -> memref<80x64xf32, #tpu.memory_space<vmem>>
        %dma_wait3A_148 = arith.constant 0 : i32
        %dma_wait3A_149 = tpu.memref_slice %arg18[%mul3A_132, %dma_wait3A_148] : memref<10000x64xf32, #tpu.memory_space<vmem_shared>> -> memref<80x64xf32, #tpu.memory_space<vmem_shared>>
        %dma_wait3A_150 = arith.constant 0 : i32
        %dma_wait3A_151 = tpu.memref_slice %arg18[%mul3A_132, %dma_wait3A_150] : memref<10000x64xf32, #tpu.memory_space<vmem_shared>> -> memref<80x64xf32, #tpu.memory_space<vmem_shared>>
        %dma_wait3A_152 = arith.constant 0 : i32
        %dma_wait3A_153 = arith.constant 0 : i32
        %dma_wait3A_154 = tpu.memref_slice %arg16[%run_scoped3A, %dma_wait3A_152, %dma_wait3A_153] : memref<5x80x64xf32, #tpu.memory_space<vmem>> -> memref<1x80x64xf32, #tpu.memory_space<vmem>>
        %dma_wait3A_155 = tpu.memref_squeeze %dma_wait3A_154 : memref<1x80x64xf32, #tpu.memory_space<vmem>> -> memref<80x64xf32, #tpu.memory_space<vmem>>
        tpu.wait_dma2 semaphore(%run_scoped3A_133 : memref<!tpu.dma_semaphore, #tpu.memory_space<semaphore_mem>>) src(%dma_wait3A_155 : memref<80x64xf32, #tpu.memory_space<vmem>>) dst(%dma_wait3A_151 : memref<80x64xf32, #tpu.memory_space<vmem_shared>>)
        tpu.yield
      }) : () -> ()
    }
    %barrier3A = arith.constant 0 : index
    tpu.barrier barrier_id(%barrier3A)
    %scan3A_25 = arith.constant 5 : i32
    %scan3A_26 = arith.constant 0 : i32
    %scan3A_27 = arith.constant 3 : i32
    %scan3A_28 = arith.addi %scan3A_26, %scan3A_27 : i32
    %scan3A_29 = arith.constant 1 : i32
    scf.for %scan3A_128 = %scan3A_26 to %scan3A_28 step %scan3A_29  : i32 {
      %mul3A_129 = arith.constant 1 : i32
      %mul3A_130 = arith.muli %scan3A_128, %mul3A_129 : i32
      %add3A_131 = arith.constant 0 : i32
      %add3A_132 = arith.addi %add3A_131, %mul3A_130 : i32
      %rem3A = arith.remsi %add3A_132, %scan3A_25 : i32
      %dma_start3A = arith.constant 0 : i32
      %dma_start3A_133 = arith.constant 0 : i32
      %dma_start3A_134 = tpu.memref_slice %arg15[%rem3A, %dma_start3A, %dma_start3A_133] : memref<5x80x64xbf16, #tpu.memory_space<vmem>> -> memref<1x80x64xbf16, #tpu.memory_space<vmem>>
      %dma_start3A_135 = tpu.memref_squeeze %dma_start3A_134 : memref<1x80x64xbf16, #tpu.memory_space<vmem>> -> memref<80x64xbf16, #tpu.memory_space<vmem>>
      %dma_start3A_136 = arith.constant 0 : i32
      %dma_start3A_137 = tpu.memref_slice %arg12[%add3A_132, %dma_start3A_136] : memref<125x80xi32, #tpu.memory_space<vmem>> -> memref<1x80xi32, #tpu.memory_space<vmem>>
      %dma_start3A_138 = tpu.memref_squeeze %dma_start3A_137 : memref<1x80xi32, #tpu.memory_space<vmem>> -> memref<80xi32, #tpu.memory_space<vmem>>
      %dma_start3A_139 = arith.constant 0 : i32
      %dma_start3A_140 = arith.constant 0 : i32
      %dma_start3A_141 = tpu.memref_slice %arg6[%dma_start3A_139, %dma_start3A_140] : memref<10000x64xbf16, #tpu.memory_space<hbm>> -> memref<10000x64xbf16, #tpu.memory_space<hbm>>
      %dma_start3A_142 = tpu.memref_slice %arg19[%rem3A] : memref<5x!tpu.dma_semaphore, #tpu.memory_space<semaphore_mem>> -> memref<1x!tpu.dma_semaphore, #tpu.memory_space<semaphore_mem>>
      %dma_start3A_143 = tpu.memref_squeeze %dma_start3A_142 : memref<1x!tpu.dma_semaphore, #tpu.memory_space<semaphore_mem>> -> memref<!tpu.dma_semaphore, #tpu.memory_space<semaphore_mem>>
      tpu.enqueue_indirect_dma source(%dma_start3A_141 : memref<10000x64xbf16, #tpu.memory_space<hbm>>) target(%dma_start3A_135 : memref<80x64xbf16, #tpu.memory_space<vmem>>) offsets(%dma_start3A_138 : memref<80xi32, #tpu.memory_space<vmem>>) semaphore(%dma_start3A_143 : memref<!tpu.dma_semaphore, #tpu.memory_space<semaphore_mem>>)
    }
    %scan3A_30 = arith.constant 3 : i32
    %scan3A_31 = arith.constant 5 : i32
    %scan3A_32 = arith.constant 0 : i32
    %scan3A_33 = arith.constant 125 : i32
    %scan3A_34 = arith.addi %scan3A_32, %scan3A_33 : i32
    %scan3A_35 = arith.constant 1 : i32
    scf.for %scan3A_128 = %scan3A_32 to %scan3A_34 step %scan3A_35  : i32 {
      %mul3A_129 = arith.constant 1 : i32
      %mul3A_130 = arith.muli %scan3A_128, %mul3A_129 : i32
      %add3A_131 = arith.constant 0 : i32
      %add3A_132 = arith.addi %add3A_131, %mul3A_130 : i32
      %rem3A = arith.remsi %add3A_132, %scan3A_31 : i32
      %dma_wait3A = arith.constant 0 : i32
      %dma_wait3A_133 = arith.constant 0 : i32
      %dma_wait3A_134 = tpu.memref_slice %arg15[%rem3A, %dma_wait3A, %dma_wait3A_133] : memref<5x80x64xbf16, #tpu.memory_space<vmem>> -> memref<1x80x64xbf16, #tpu.memory_space<vmem>>
      %dma_wait3A_135 = tpu.memref_squeeze %dma_wait3A_134 : memref<1x80x64xbf16, #tpu.memory_space<vmem>> -> memref<80x64xbf16, #tpu.memory_space<vmem>>
      %dma_wait3A_136 = arith.constant 0 : i32
      %dma_wait3A_137 = arith.constant 0 : i32
      %dma_wait3A_138 = tpu.memref_slice %arg6[%dma_wait3A_136, %dma_wait3A_137] : memref<10000x64xbf16, #tpu.memory_space<hbm>> -> memref<80x64xbf16, #tpu.memory_space<hbm>>
      %dma_wait3A_139 = tpu.memref_slice %arg19[%rem3A] : memref<5x!tpu.dma_semaphore, #tpu.memory_space<semaphore_mem>> -> memref<1x!tpu.dma_semaphore, #tpu.memory_space<semaphore_mem>>
      %dma_wait3A_140 = tpu.memref_squeeze %dma_wait3A_139 : memref<1x!tpu.dma_semaphore, #tpu.memory_space<semaphore_mem>> -> memref<!tpu.dma_semaphore, #tpu.memory_space<semaphore_mem>>
      %dma_wait3A_141 = arith.constant 0 : i32
      %dma_wait3A_142 = arith.constant 0 : i32
      %dma_wait3A_143 = tpu.memref_slice %arg15[%rem3A, %dma_wait3A_141, %dma_wait3A_142] : memref<5x80x64xbf16, #tpu.memory_space<vmem>> -> memref<1x80x64xbf16, #tpu.memory_space<vmem>>
      %dma_wait3A_144 = tpu.memref_squeeze %dma_wait3A_143 : memref<1x80x64xbf16, #tpu.memory_space<vmem>> -> memref<80x64xbf16, #tpu.memory_space<vmem>>
      %dma_wait3A_145 = arith.constant 0 : i32
      %dma_wait3A_146 = arith.constant 0 : i32
      %dma_wait3A_147 = tpu.memref_slice %arg6[%dma_wait3A_145, %dma_wait3A_146] : memref<10000x64xbf16, #tpu.memory_space<hbm>> -> memref<80x64xbf16, #tpu.memory_space<hbm>>
      tpu.wait_dma2 semaphore(%dma_wait3A_140 : memref<!tpu.dma_semaphore, #tpu.memory_space<semaphore_mem>>) src(%dma_wait3A_147 : memref<80x64xbf16, #tpu.memory_space<hbm>>) dst(%dma_wait3A_144 : memref<80x64xbf16, #tpu.memory_space<vmem>>)
      %ge3A = arith.constant 5 : i32
      %ge3A_148 = arith.cmpi sge, %add3A_132, %ge3A : i32
      %convert_element_type3A = arith.extui %ge3A_148 : i1 to i32
      %cond3A = arith.constant 0 : i32
      %cond3A_149 = arith.cmpi ne, %convert_element_type3A, %cond3A : i32
      scf.if %cond3A_149 {
        %dma_wait3A_257 = arith.constant 0 : i32
        %dma_wait3A_258 = arith.constant 0 : i32
        %dma_wait3A_259 = tpu.memref_slice %arg16[%rem3A, %dma_wait3A_257, %dma_wait3A_258] : memref<5x80x64xf32, #tpu.memory_space<vmem>> -> memref<1x80x64xf32, #tpu.memory_space<vmem>>
        %dma_wait3A_260 = tpu.memref_squeeze %dma_wait3A_259 : memref<1x80x64xf32, #tpu.memory_space<vmem>> -> memref<80x64xf32, #tpu.memory_space<vmem>>
        %dma_wait3A_261 = arith.constant 0 : i32
        %dma_wait3A_262 = arith.constant 0 : i32
        %dma_wait3A_263 = tpu.memref_slice %arg18[%dma_wait3A_261, %dma_wait3A_262] : memref<10000x64xf32, #tpu.memory_space<vmem_shared>> -> memref<80x64xf32, #tpu.memory_space<vmem_shared>>
        %dma_wait3A_264 = tpu.memref_slice %arg20[%rem3A] : memref<5x!tpu.dma_semaphore, #tpu.memory_space<semaphore_mem>> -> memref<1x!tpu.dma_semaphore, #tpu.memory_space<semaphore_mem>>
        %dma_wait3A_265 = tpu.memref_squeeze %dma_wait3A_264 : memref<1x!tpu.dma_semaphore, #tpu.memory_space<semaphore_mem>> -> memref<!tpu.dma_semaphore, #tpu.memory_space<semaphore_mem>>
        %dma_wait3A_266 = arith.constant 0 : i32
        %dma_wait3A_267 = arith.constant 0 : i32
        %dma_wait3A_268 = tpu.memref_slice %arg18[%dma_wait3A_266, %dma_wait3A_267] : memref<10000x64xf32, #tpu.memory_space<vmem_shared>> -> memref<80x64xf32, #tpu.memory_space<vmem_shared>>
        %dma_wait3A_269 = arith.constant 0 : i32
        %dma_wait3A_270 = arith.constant 0 : i32
        %dma_wait3A_271 = tpu.memref_slice %arg16[%rem3A, %dma_wait3A_269, %dma_wait3A_270] : memref<5x80x64xf32, #tpu.memory_space<vmem>> -> memref<1x80x64xf32, #tpu.memory_space<vmem>>
        %dma_wait3A_272 = tpu.memref_squeeze %dma_wait3A_271 : memref<1x80x64xf32, #tpu.memory_space<vmem>> -> memref<80x64xf32, #tpu.memory_space<vmem>>
        tpu.wait_dma2 semaphore(%dma_wait3A_265 : memref<!tpu.dma_semaphore, #tpu.memory_space<semaphore_mem>>) src(%dma_wait3A_272 : memref<80x64xf32, #tpu.memory_space<vmem>>) dst(%dma_wait3A_268 : memref<80x64xf32, #tpu.memory_space<vmem_shared>>)
      } else {
      }
      %get3A = arith.index_cast %add3A_132 : i32 to index
      %get3A_150 = arith.constant 0 : index
      %get3A_151 = tpu.vector_load %arg12[%get3A, %get3A_150] {strides = array<i32>} : memref<125x80xi32, #tpu.memory_space<vmem>>, vector<16xi32>,
      %get3A_152 = arith.index_cast %add3A_132 : i32 to index
      %get3A_153 = arith.constant 0 : index
      %get3A_154 = tpu.vector_load %arg13[%get3A_152, %get3A_153] {strides = array<i32>} : memref<125x80xi32, #tpu.memory_space<vmem>>, vector<16xi32>,
      %gather3A = tpu.vector_load_idx %arg10[%get3A_151] : memref<10000xf32, #tpu.memory_space<vmem>>[vector<16xi32>], vector<16xf32>,
      %gather3A_155 = tpu.vector_load_idx %arg10[%get3A_154] : memref<10000xf32, #tpu.memory_space<vmem>>[vector<16xi32>], vector<16xf32>,
      %gather3A_156 = tpu.vector_load_idx %arg11[%get3A_151] : memref<10000xf32, #tpu.memory_space<vmem>>[vector<16xi32>], vector<16xf32>,
      %sub3A_157 = arith.subf %gather3A, %gather3A_155 : vector<16xf32>
      %abs3A = math.absf %sub3A_157 : vector<16xf32>
      %mul3A_158 = arith.mulf %gather3A_156, %abs3A : vector<16xf32>
      %mul3A_159 = arith.constant -2.000000e-03 : f32
      %mul3A_160 = vector.broadcast %mul3A_159 : f32 to vector<16xf32>
      %mul3A_161 = arith.mulf %mul3A_158, %mul3A_160 : vector<16xf32>
      %exp3A = math.exp %mul3A_161 : vector<16xf32>
      %swap3A = arith.constant 0 : index
      %swap3A_162 = tpu.vector_load %arg14[%swap3A] {strides = array<i32>} : memref<96xf32, #tpu.memory_space<vmem>>, vector<16xf32>,
      tpu.vector_store %arg14[%swap3A], %exp3A {strides = array<i32>} : memref<96xf32, #tpu.memory_space<vmem>>, vector<16xf32>,
      tpu.vector_store_idx %arg17[%get3A_154], %exp3A {add = true} : memref<10000xf32, #tpu.memory_space<vmem>>[vector<16xi32>], vector<16xf32>,
      %get3A_163 = arith.index_cast %add3A_132 : i32 to index
      %get3A_164 = arith.constant 16 : index
      %get3A_165 = tpu.vector_load %arg12[%get3A_163, %get3A_164] {strides = array<i32>} : memref<125x80xi32, #tpu.memory_space<vmem>>, vector<16xi32>,
      %get3A_166 = arith.index_cast %add3A_132 : i32 to index
      %get3A_167 = arith.constant 16 : index
      %get3A_168 = tpu.vector_load %arg13[%get3A_166, %get3A_167] {strides = array<i32>} : memref<125x80xi32, #tpu.memory_space<vmem>>, vector<16xi32>,
      %gather3A_169 = tpu.vector_load_idx %arg10[%get3A_165] : memref<10000xf32, #tpu.memory_space<vmem>>[vector<16xi32>], vector<16xf32>,
      %gather3A_170 = tpu.vector_load_idx %arg10[%get3A_168] : memref<10000xf32, #tpu.memory_space<vmem>>[vector<16xi32>], vector<16xf32>,
      %gather3A_171 = tpu.vector_load_idx %arg11[%get3A_165] : memref<10000xf32, #tpu.memory_space<vmem>>[vector<16xi32>], vector<16xf32>,
      %sub3A_172 = arith.subf %gather3A_169, %gather3A_170 : vector<16xf32>
      %abs3A_173 = math.absf %sub3A_172 : vector<16xf32>
      %mul3A_174 = arith.mulf %gather3A_171, %abs3A_173 : vector<16xf32>
      %mul3A_175 = arith.constant -2.000000e-03 : f32
      %mul3A_176 = vector.broadcast %mul3A_175 : f32 to vector<16xf32>
      %mul3A_177 = arith.mulf %mul3A_174, %mul3A_176 : vector<16xf32>
      %exp3A_178 = math.exp %mul3A_177 : vector<16xf32>
      %swap3A_179 = arith.constant 16 : index
      %swap3A_180 = tpu.vector_load %arg14[%swap3A_179] {strides = array<i32>} : memref<96xf32, #tpu.memory_space<vmem>>, vector<16xf32>,
      tpu.vector_store %arg14[%swap3A_179], %exp3A_178 {strides = array<i32>} : memref<96xf32, #tpu.memory_space<vmem>>, vector<16xf32>,
      tpu.vector_store_idx %arg17[%get3A_168], %exp3A_178 {add = true} : memref<10000xf32, #tpu.memory_space<vmem>>[vector<16xi32>], vector<16xf32>,
      %get3A_181 = arith.index_cast %add3A_132 : i32 to index
      %get3A_182 = arith.constant 32 : index
      %get3A_183 = tpu.vector_load %arg12[%get3A_181, %get3A_182] {strides = array<i32>} : memref<125x80xi32, #tpu.memory_space<vmem>>, vector<16xi32>,
      %get3A_184 = arith.index_cast %add3A_132 : i32 to index
      %get3A_185 = arith.constant 32 : index
      %get3A_186 = tpu.vector_load %arg13[%get3A_184, %get3A_185] {strides = array<i32>} : memref<125x80xi32, #tpu.memory_space<vmem>>, vector<16xi32>,
      %gather3A_187 = tpu.vector_load_idx %arg10[%get3A_183] : memref<10000xf32, #tpu.memory_space<vmem>>[vector<16xi32>], vector<16xf32>,
      %gather3A_188 = tpu.vector_load_idx %arg10[%get3A_186] : memref<10000xf32, #tpu.memory_space<vmem>>[vector<16xi32>], vector<16xf32>,
      %gather3A_189 = tpu.vector_load_idx %arg11[%get3A_183] : memref<10000xf32, #tpu.memory_space<vmem>>[vector<16xi32>], vector<16xf32>,
      %sub3A_190 = arith.subf %gather3A_187, %gather3A_188 : vector<16xf32>
      %abs3A_191 = math.absf %sub3A_190 : vector<16xf32>
      %mul3A_192 = arith.mulf %gather3A_189, %abs3A_191 : vector<16xf32>
      %mul3A_193 = arith.constant -2.000000e-03 : f32
      %mul3A_194 = vector.broadcast %mul3A_193 : f32 to vector<16xf32>
      %mul3A_195 = arith.mulf %mul3A_192, %mul3A_194 : vector<16xf32>
      %exp3A_196 = math.exp %mul3A_195 : vector<16xf32>
      %swap3A_197 = arith.constant 32 : index
      %swap3A_198 = tpu.vector_load %arg14[%swap3A_197] {strides = array<i32>} : memref<96xf32, #tpu.memory_space<vmem>>, vector<16xf32>,
      tpu.vector_store %arg14[%swap3A_197], %exp3A_196 {strides = array<i32>} : memref<96xf32, #tpu.memory_space<vmem>>, vector<16xf32>,
      tpu.vector_store_idx %arg17[%get3A_186], %exp3A_196 {add = true} : memref<10000xf32, #tpu.memory_space<vmem>>[vector<16xi32>], vector<16xf32>,
      %get3A_199 = arith.index_cast %add3A_132 : i32 to index
      %get3A_200 = arith.constant 48 : index
      %get3A_201 = tpu.vector_load %arg12[%get3A_199, %get3A_200] {strides = array<i32>} : memref<125x80xi32, #tpu.memory_space<vmem>>, vector<16xi32>,
      %get3A_202 = arith.index_cast %add3A_132 : i32 to index
      %get3A_203 = arith.constant 48 : index
      %get3A_204 = tpu.vector_load %arg13[%get3A_202, %get3A_203] {strides = array<i32>} : memref<125x80xi32, #tpu.memory_space<vmem>>, vector<16xi32>,
      %gather3A_205 = tpu.vector_load_idx %arg10[%get3A_201] : memref<10000xf32, #tpu.memory_space<vmem>>[vector<16xi32>], vector<16xf32>,
      %gather3A_206 = tpu.vector_load_idx %arg10[%get3A_204] : memref<10000xf32, #tpu.memory_space<vmem>>[vector<16xi32>], vector<16xf32>,
      %gather3A_207 = tpu.vector_load_idx %arg11[%get3A_201] : memref<10000xf32, #tpu.memory_space<vmem>>[vector<16xi32>], vector<16xf32>,
      %sub3A_208 = arith.subf %gather3A_205, %gather3A_206 : vector<16xf32>
      %abs3A_209 = math.absf %sub3A_208 : vector<16xf32>
      %mul3A_210 = arith.mulf %gather3A_207, %abs3A_209 : vector<16xf32>
      %mul3A_211 = arith.constant -2.000000e-03 : f32
      %mul3A_212 = vector.broadcast %mul3A_211 : f32 to vector<16xf32>
      %mul3A_213 = arith.mulf %mul3A_210, %mul3A_212 : vector<16xf32>
      %exp3A_214 = math.exp %mul3A_213 : vector<16xf32>
      %swap3A_215 = arith.constant 48 : index
      %swap3A_216 = tpu.vector_load %arg14[%swap3A_215] {strides = array<i32>} : memref<96xf32, #tpu.memory_space<vmem>>, vector<16xf32>,
      tpu.vector_store %arg14[%swap3A_215], %exp3A_214 {strides = array<i32>} : memref<96xf32, #tpu.memory_space<vmem>>, vector<16xf32>,
      tpu.vector_store_idx %arg17[%get3A_204], %exp3A_214 {add = true} : memref<10000xf32, #tpu.memory_space<vmem>>[vector<16xi32>], vector<16xf32>,
      %get3A_217 = arith.index_cast %add3A_132 : i32 to index
      %get3A_218 = arith.constant 64 : index
      %get3A_219 = tpu.vector_load %arg12[%get3A_217, %get3A_218] {strides = array<i32>} : memref<125x80xi32, #tpu.memory_space<vmem>>, vector<16xi32>,
      %get3A_220 = arith.index_cast %add3A_132 : i32 to index
      %get3A_221 = arith.constant 64 : index
      %get3A_222 = tpu.vector_load %arg13[%get3A_220, %get3A_221] {strides = array<i32>} : memref<125x80xi32, #tpu.memory_space<vmem>>, vector<16xi32>,
      %gather3A_223 = tpu.vector_load_idx %arg10[%get3A_219] : memref<10000xf32, #tpu.memory_space<vmem>>[vector<16xi32>], vector<16xf32>,
      %gather3A_224 = tpu.vector_load_idx %arg10[%get3A_222] : memref<10000xf32, #tpu.memory_space<vmem>>[vector<16xi32>], vector<16xf32>,
      %gather3A_225 = tpu.vector_load_idx %arg11[%get3A_219] : memref<10000xf32, #tpu.memory_space<vmem>>[vector<16xi32>], vector<16xf32>,
      %sub3A_226 = arith.subf %gather3A_223, %gather3A_224 : vector<16xf32>
      %abs3A_227 = math.absf %sub3A_226 : vector<16xf32>
      %mul3A_228 = arith.mulf %gather3A_225, %abs3A_227 : vector<16xf32>
      %mul3A_229 = arith.constant -2.000000e-03 : f32
      %mul3A_230 = vector.broadcast %mul3A_229 : f32 to vector<16xf32>
      %mul3A_231 = arith.mulf %mul3A_228, %mul3A_230 : vector<16xf32>
      %exp3A_232 = math.exp %mul3A_231 : vector<16xf32>
      %swap3A_233 = arith.constant 64 : index
      %swap3A_234 = tpu.vector_load %arg14[%swap3A_233] {strides = array<i32>} : memref<96xf32, #tpu.memory_space<vmem>>, vector<16xf32>,
      tpu.vector_store %arg14[%swap3A_233], %exp3A_232 {strides = array<i32>} : memref<96xf32, #tpu.memory_space<vmem>>, vector<16xf32>,
      tpu.vector_store_idx %arg17[%get3A_222], %exp3A_232 {add = true} : memref<10000xf32, #tpu.memory_space<vmem>>[vector<16xi32>], vector<16xf32>,
      %scan3A_235 = arith.constant 0 : i32
      %scan3A_236 = arith.constant 80 : i32
      %scan3A_237 = arith.addi %scan3A_235, %scan3A_236 : i32
      %scan3A_238 = arith.constant 1 : i32
      scf.for %scan3A_257 = %scan3A_235 to %scan3A_237 step %scan3A_238  : i32 {
        %mul3A_258 = arith.constant 1 : i32
        %mul3A_259 = arith.muli %scan3A_257, %mul3A_258 : i32
        %add3A_260 = arith.constant 0 : i32
        %add3A_261 = arith.addi %add3A_260, %mul3A_259 : i32
        %get3A_262 = arith.index_cast %add3A_261 : i32 to index
        %get3A_263 = tpu.vector_load %arg14[%get3A_262] {strides = array<i32>} : memref<96xf32, #tpu.memory_space<vmem>>, vector<16xf32>,
        %slice3A = vector.extract_strided_slice %get3A_263 {offsets = [0], sizes = [1], strides = [1]} : vector<16xf32> to vector<1xf32>
        %squeeze3A = vector.extract %slice3A[0] : f32 from vector<1xf32>
        %broadcast_in_dim3A = vector.broadcast %squeeze3A : f32 to vector<16xf32>
        %get3A_264 = arith.index_cast %rem3A : i32 to index
        %get3A_265 = arith.index_cast %add3A_261 : i32 to index
        %get3A_266 = arith.constant 0 : index
        %get3A_267 = tpu.vector_load %arg15[%get3A_264, %get3A_265, %get3A_266] {strides = array<i32>} : memref<5x80x64xbf16, #tpu.memory_space<vmem>>, vector<32xbf16>,
        %unpack3A = tpu.unpack_subelements %get3A_267, 0 {pack_format = #tpu.pack_format<interleaved>} : vector<32xbf16> -> vector<16xf32>
        %unpack3A_268 = tpu.unpack_subelements %get3A_267, 1 {pack_format = #tpu.pack_format<interleaved>} : vector<32xbf16> -> vector<16xf32>
        %mul3A_269 = arith.mulf %unpack3A, %broadcast_in_dim3A : vector<16xf32>
        %swap3A_270 = arith.index_cast %rem3A : i32 to index
        %swap3A_271 = arith.index_cast %add3A_261 : i32 to index
        %swap3A_272 = arith.constant 0 : index
        %swap3A_273 = tpu.vector_load %arg16[%swap3A_270, %swap3A_271, %swap3A_272] {strides = array<i32>} : memref<5x80x64xf32, #tpu.memory_space<vmem>>, vector<16xf32>,
        tpu.vector_store %arg16[%swap3A_270, %swap3A_271, %swap3A_272], %mul3A_269 {strides = array<i32>} : memref<5x80x64xf32, #tpu.memory_space<vmem>>, vector<16xf32>,
        %mul3A_274 = arith.mulf %unpack3A_268, %broadcast_in_dim3A : vector<16xf32>
        %swap3A_275 = arith.index_cast %rem3A : i32 to index
        %swap3A_276 = arith.index_cast %add3A_261 : i32 to index
        %swap3A_277 = arith.constant 16 : index
        %swap3A_278 = tpu.vector_load %arg16[%swap3A_275, %swap3A_276, %swap3A_277] {strides = array<i32>} : memref<5x80x64xf32, #tpu.memory_space<vmem>>, vector<16xf32>,
        tpu.vector_store %arg16[%swap3A_275, %swap3A_276, %swap3A_277], %mul3A_274 {strides = array<i32>} : memref<5x80x64xf32, #tpu.memory_space<vmem>>, vector<16xf32>,
        %get3A_279 = arith.index_cast %rem3A : i32 to index
        %get3A_280 = arith.index_cast %add3A_261 : i32 to index
        %get3A_281 = arith.constant 32 : index
        %get3A_282 = tpu.vector_load %arg15[%get3A_279, %get3A_280, %get3A_281] {strides = array<i32>} : memref<5x80x64xbf16, #tpu.memory_space<vmem>>, vector<32xbf16>,
        %unpack3A_283 = tpu.unpack_subelements %get3A_282, 0 {pack_format = #tpu.pack_format<interleaved>} : vector<32xbf16> -> vector<16xf32>
        %unpack3A_284 = tpu.unpack_subelements %get3A_282, 1 {pack_format = #tpu.pack_format<interleaved>} : vector<32xbf16> -> vector<16xf32>
        %mul3A_285 = arith.mulf %unpack3A_283, %broadcast_in_dim3A : vector<16xf32>
        %swap3A_286 = arith.index_cast %rem3A : i32 to index
        %swap3A_287 = arith.index_cast %add3A_261 : i32 to index
        %swap3A_288 = arith.constant 32 : index
        %swap3A_289 = tpu.vector_load %arg16[%swap3A_286, %swap3A_287, %swap3A_288] {strides = array<i32>} : memref<5x80x64xf32, #tpu.memory_space<vmem>>, vector<16xf32>,
        tpu.vector_store %arg16[%swap3A_286, %swap3A_287, %swap3A_288], %mul3A_285 {strides = array<i32>} : memref<5x80x64xf32, #tpu.memory_space<vmem>>, vector<16xf32>,
        %mul3A_290 = arith.mulf %unpack3A_284, %broadcast_in_dim3A : vector<16xf32>
        %swap3A_291 = arith.index_cast %rem3A : i32 to index
        %swap3A_292 = arith.index_cast %add3A_261 : i32 to index
        %swap3A_293 = arith.constant 48 : index
        %swap3A_294 = tpu.vector_load %arg16[%swap3A_291, %swap3A_292, %swap3A_293] {strides = array<i32>} : memref<5x80x64xf32, #tpu.memory_space<vmem>>, vector<16xf32>,
        tpu.vector_store %arg16[%swap3A_291, %swap3A_292, %swap3A_293], %mul3A_290 {strides = array<i32>} : memref<5x80x64xf32, #tpu.memory_space<vmem>>, vector<16xf32>,
      }
      %scan3A_239 = arith.constant 80 : i32
      %dma_start3A = arith.constant 0 : i32
      %dma_start3A_240 = arith.constant 0 : i32
      %dma_start3A_241 = tpu.memref_slice %arg16[%rem3A, %dma_start3A, %dma_start3A_240] : memref<5x80x64xf32, #tpu.memory_space<vmem>> -> memref<1x80x64xf32, #tpu.memory_space<vmem>>
      %dma_start3A_242 = tpu.memref_squeeze %dma_start3A_241 : memref<1x80x64xf32, #tpu.memory_space<vmem>> -> memref<80x64xf32, #tpu.memory_space<vmem>>
      %dma_start3A_243 = arith.constant 0 : i32
      %dma_start3A_244 = tpu.memref_slice %arg13[%add3A_132, %dma_start3A_243] : memref<125x80xi32, #tpu.memory_space<vmem>> -> memref<1x80xi32, #tpu.memory_space<vmem>>
      %dma_start3A_245 = tpu.memref_squeeze %dma_start3A_244 : memref<1x80xi32, #tpu.memory_space<vmem>> -> memref<80xi32, #tpu.memory_space<vmem>>
      %dma_start3A_246 = arith.constant 0 : i32
      %dma_start3A_247 = arith.constant 0 : i32
      %dma_start3A_248 = tpu.memref_slice %arg18[%dma_start3A_246, %dma_start3A_247] : memref<10000x64xf32, #tpu.memory_space<vmem_shared>> -> memref<10000x64xf32, #tpu.memory_space<vmem_shared>>
      %dma_start3A_249 = tpu.memref_slice %arg20[%rem3A] : memref<5x!tpu.dma_semaphore, #tpu.memory_space<semaphore_mem>> -> memref<1x!tpu.dma_semaphore, #tpu.memory_space<semaphore_mem>>
      %dma_start3A_250 = tpu.memref_squeeze %dma_start3A_249 : memref<1x!tpu.dma_semaphore, #tpu.memory_space<semaphore_mem>> -> memref<!tpu.dma_semaphore, #tpu.memory_space<semaphore_mem>>
      tpu.enqueue_indirect_dma source(%dma_start3A_242 : memref<80x64xf32, #tpu.memory_space<vmem>>) target(%dma_start3A_248 : memref<10000x64xf32, #tpu.memory_space<vmem_shared>>) offsets(%dma_start3A_245 : memref<80xi32, #tpu.memory_space<vmem>>) semaphore(%dma_start3A_250 : memref<!tpu.dma_semaphore, #tpu.memory_space<semaphore_mem>>) {add = true}
      %add3A_251 = arith.constant 3 : i32
      %add3A_252 = arith.addi %add3A_132, %add3A_251 : i32
      %lt3A = arith.constant 125 : i32
      %lt3A_253 = arith.cmpi slt, %add3A_252, %lt3A : i32
      %convert_element_type3A_254 = arith.extui %lt3A_253 : i1 to i32
      %cond3A_255 = arith.constant 0 : i32
      %cond3A_256 = arith.cmpi ne, %convert_element_type3A_254, %cond3A_255 : i32
      scf.if %cond3A_256 {
        %rem3A_257 = arith.remsi %add3A_252, %scan3A_31 : i32
        %dma_start3A_258 = arith.constant 0 : i32
        %dma_start3A_259 = arith.constant 0 : i32
        %dma_start3A_260 = tpu.memref_slice %arg15[%rem3A_257, %dma_start3A_258, %dma_start3A_259] : memref<5x80x64xbf16, #tpu.memory_space<vmem>> -> memref<1x80x64xbf16, #tpu.memory_space<vmem>>
        %dma_start3A_261 = tpu.memref_squeeze %dma_start3A_260 : memref<1x80x64xbf16, #tpu.memory_space<vmem>> -> memref<80x64xbf16, #tpu.memory_space<vmem>>
        %dma_start3A_262 = arith.constant 0 : i32
        %dma_start3A_263 = tpu.memref_slice %arg12[%add3A_252, %dma_start3A_262] : memref<125x80xi32, #tpu.memory_space<vmem>> -> memref<1x80xi32, #tpu.memory_space<vmem>>
        %dma_start3A_264 = tpu.memref_squeeze %dma_start3A_263 : memref<1x80xi32, #tpu.memory_space<vmem>> -> memref<80xi32, #tpu.memory_space<vmem>>
        %dma_start3A_265 = arith.constant 0 : i32
        %dma_start3A_266 = arith.constant 0 : i32
        %dma_start3A_267 = tpu.memref_slice %arg6[%dma_start3A_265, %dma_start3A_266] : memref<10000x64xbf16, #tpu.memory_space<hbm>> -> memref<10000x64xbf16, #tpu.memory_space<hbm>>
        %dma_start3A_268 = tpu.memref_slice %arg19[%rem3A_257] : memref<5x!tpu.dma_semaphore, #tpu.memory_space<semaphore_mem>> -> memref<1x!tpu.dma_semaphore, #tpu.memory_space<semaphore_mem>>
        %dma_start3A_269 = tpu.memref_squeeze %dma_start3A_268 : memref<1x!tpu.dma_semaphore, #tpu.memory_space<semaphore_mem>> -> memref<!tpu.dma_semaphore, #tpu.memory_space<semaphore_mem>>
        tpu.enqueue_indirect_dma source(%dma_start3A_267 : memref<10000x64xbf16, #tpu.memory_space<hbm>>) target(%dma_start3A_261 : memref<80x64xbf16, #tpu.memory_space<vmem>>) offsets(%dma_start3A_264 : memref<80xi32, #tpu.memory_space<vmem>>) semaphore(%dma_start3A_269 : memref<!tpu.dma_semaphore, #tpu.memory_space<semaphore_mem>>)
      } else {
      }
    }
    %scan3A_36 = arith.constant 125 : i32
    %scan3A_37 = arith.constant 5 : i32
    %scan3A_38 = arith.constant 0 : i32
    %scan3A_39 = arith.constant 5 : i32
    %scan3A_40 = arith.addi %scan3A_38, %scan3A_39 : i32
    %scan3A_41 = arith.constant 1 : i32
    scf.for %scan3A_128 = %scan3A_38 to %scan3A_40 step %scan3A_41  : i32 {
      %mul3A_129 = arith.constant 1 : i32
      %mul3A_130 = arith.muli %scan3A_128, %mul3A_129 : i32
      %add3A_131 = arith.constant 120 : i32
      %add3A_132 = arith.addi %add3A_131, %mul3A_130 : i32
      %rem3A = arith.remsi %add3A_132, %scan3A_37 : i32
      %dma_wait3A = arith.constant 0 : i32
      %dma_wait3A_133 = arith.constant 0 : i32
      %dma_wait3A_134 = tpu.memref_slice %arg16[%rem3A, %dma_wait3A, %dma_wait3A_133] : memref<5x80x64xf32, #tpu.memory_space<vmem>> -> memref<1x80x64xf32, #tpu.memory_space<vmem>>
      %dma_wait3A_135 = tpu.memref_squeeze %dma_wait3A_134 : memref<1x80x64xf32, #tpu.memory_space<vmem>> -> memref<80x64xf32, #tpu.memory_space<vmem>>
      %dma_wait3A_136 = arith.constant 0 : i32
      %dma_wait3A_137 = arith.constant 0 : i32
      %dma_wait3A_138 = tpu.memref_slice %arg18[%dma_wait3A_136, %dma_wait3A_137] : memref<10000x64xf32, #tpu.memory_space<vmem_shared>> -> memref<80x64xf32, #tpu.memory_space<vmem_shared>>
      %dma_wait3A_139 = tpu.memref_slice %arg20[%rem3A] : memref<5x!tpu.dma_semaphore, #tpu.memory_space<semaphore_mem>> -> memref<1x!tpu.dma_semaphore, #tpu.memory_space<semaphore_mem>>
      %dma_wait3A_140 = tpu.memref_squeeze %dma_wait3A_139 : memref<1x!tpu.dma_semaphore, #tpu.memory_space<semaphore_mem>> -> memref<!tpu.dma_semaphore, #tpu.memory_space<semaphore_mem>>
      %dma_wait3A_141 = arith.constant 0 : i32
      %dma_wait3A_142 = arith.constant 0 : i32
      %dma_wait3A_143 = tpu.memref_slice %arg18[%dma_wait3A_141, %dma_wait3A_142] : memref<10000x64xf32, #tpu.memory_space<vmem_shared>> -> memref<80x64xf32, #tpu.memory_space<vmem_shared>>
      %dma_wait3A_144 = arith.constant 0 : i32
      %dma_wait3A_145 = arith.constant 0 : i32
      %dma_wait3A_146 = tpu.memref_slice %arg16[%rem3A, %dma_wait3A_144, %dma_wait3A_145] : memref<5x80x64xf32, #tpu.memory_space<vmem>> -> memref<1x80x64xf32, #tpu.memory_space<vmem>>
      %dma_wait3A_147 = tpu.memref_squeeze %dma_wait3A_146 : memref<1x80x64xf32, #tpu.memory_space<vmem>> -> memref<80x64xf32, #tpu.memory_space<vmem>>
      tpu.wait_dma2 semaphore(%dma_wait3A_140 : memref<!tpu.dma_semaphore, #tpu.memory_space<semaphore_mem>>) src(%dma_wait3A_147 : memref<80x64xf32, #tpu.memory_space<vmem>>) dst(%dma_wait3A_143 : memref<80x64xf32, #tpu.memory_space<vmem_shared>>)
    }
    %scan3A_42 = arith.constant 5 : i32
    %barrier3A_43 = arith.constant 0 : index
    tpu.barrier barrier_id(%barrier3A_43)
    %add3A_44 = arith.constant 0 : i32
    %add3A_45 = arith.addi %add3A_44, %arg0 : i32
    %sub3A_46 = arith.constant 125 : i32
    %sub3A_47 = arith.subi %sub3A_46, %arg1 : i32
    %sub3A_48 = arith.constant 16 : i32
    %sub3A_49 = arith.constant 1 : i32
    %sub3A_50 = arith.subi %sub3A_48, %sub3A_49 : i32
    %add3A_51 = arith.addi %sub3A_47, %sub3A_50 : i32
    %div3A_52 = arith.constant 16 : i32
    %div3A_53 = arith.divsi %add3A_51, %div3A_52 : i32
    %while3A_54 = arith.constant 16 : i32
    %while3A_55 = arith.constant 0 : i32
    %while3A_56 = arith.subi %div3A_53, %while3A_55 : i32
    %while3A_57 = arith.addi %while3A_55, %while3A_56 : i32
    %while3A_58 = arith.constant 1 : i32
    %while3A_59 = arith.divsi %while3A_56, %while3A_58 : i32
    %while3A_60 = arith.muli %while3A_59, %while3A_58 : i32
    %while3A_61 = arith.addi %while3A_55, %while3A_60 : i32
    %while3A_62 = arith.constant 1 : i32
    scf.for %while3A_128 = %while3A_55 to %while3A_61 step %while3A_62  : i32 {
      %mul3A_129 = arith.muli %while3A_128, %while3A_54 : i32
      %add3A_130 = arith.addi %arg1, %mul3A_129 : i32
      %mul3A_131 = arith.constant 80 : i32
      %mul3A_132 = arith.muli %add3A_130, %mul3A_131 : i32
      %mul3A_133 = arith.constant 10000 : i32
      %mul3A_134 = arith.muli %add3A_45, %mul3A_133 : i32
      %mul3A_135 = arith.constant 80 : i32
      %mul3A_136 = arith.muli %add3A_130, %mul3A_135 : i32
      %add3A_137 = arith.addi %mul3A_134, %mul3A_136 : i32
      "tpu.region"() ({
        %run_scoped3A = tpu.sem_alloc : memref<!tpu.dma_semaphore, #tpu.memory_space<semaphore_mem>>
        %dma_start3A = arith.constant 0 : i32
        %dma_start3A_138 = tpu.memref_slice %arg8[%add3A_137, %dma_start3A] : memref<40000x64xf32, #tpu.memory_space<hbm>> -> memref<80x64xf32, #tpu.memory_space<hbm>>
        %dma_start3A_139 = arith.constant 0 : i32
        %dma_start3A_140 = tpu.memref_slice %arg18[%mul3A_132, %dma_start3A_139] : memref<10000x64xf32, #tpu.memory_space<vmem_shared>> -> memref<80x64xf32, #tpu.memory_space<vmem_shared>>
        tpu.enqueue_dma source(%dma_start3A_140 : memref<80x64xf32, #tpu.memory_space<vmem_shared>>) target(%dma_start3A_138 : memref<80x64xf32, #tpu.memory_space<hbm>>) target_semaphore(%run_scoped3A : memref<!tpu.dma_semaphore, #tpu.memory_space<semaphore_mem>>)
        %dma_wait3A = arith.constant 0 : i32
        %dma_wait3A_141 = tpu.memref_slice %arg8[%add3A_137, %dma_wait3A] : memref<40000x64xf32, #tpu.memory_space<hbm>> -> memref<80x64xf32, #tpu.memory_space<hbm>>
        %dma_wait3A_142 = arith.constant 0 : i32
        %dma_wait3A_143 = tpu.memref_slice %arg18[%mul3A_132, %dma_wait3A_142] : memref<10000x64xf32, #tpu.memory_space<vmem_shared>> -> memref<80x64xf32, #tpu.memory_space<vmem_shared>>
        tpu.wait_dma2 semaphore(%run_scoped3A : memref<!tpu.dma_semaphore, #tpu.memory_space<semaphore_mem>>) src(%dma_wait3A_143 : memref<80x64xf32, #tpu.memory_space<vmem_shared>>) dst(%dma_wait3A_141 : memref<80x64xf32, #tpu.memory_space<hbm>>)
        tpu.yield
      }) : () -> ()
    }
    %while3A_63 = arith.constant 1 : i32
    scf.for %while3A_128 = %while3A_61 to %while3A_57 step %while3A_63  : i32 {
      %mul3A_129 = arith.muli %while3A_128, %while3A_54 : i32
      %add3A_130 = arith.addi %arg1, %mul3A_129 : i32
      %mul3A_131 = arith.constant 80 : i32
      %mul3A_132 = arith.muli %add3A_130, %mul3A_131 : i32
      %mul3A_133 = arith.constant 10000 : i32
      %mul3A_134 = arith.muli %add3A_45, %mul3A_133 : i32
      %mul3A_135 = arith.constant 80 : i32
      %mul3A_136 = arith.muli %add3A_130, %mul3A_135 : i32
      %add3A_137 = arith.addi %mul3A_134, %mul3A_136 : i32
      "tpu.region"() ({
        %run_scoped3A = tpu.sem_alloc : memref<!tpu.dma_semaphore, #tpu.memory_space<semaphore_mem>>
        %dma_start3A = arith.constant 0 : i32
        %dma_start3A_138 = tpu.memref_slice %arg8[%add3A_137, %dma_start3A] : memref<40000x64xf32, #tpu.memory_space<hbm>> -> memref<80x64xf32, #tpu.memory_space<hbm>>
        %dma_start3A_139 = arith.constant 0 : i32
        %dma_start3A_140 = tpu.memref_slice %arg18[%mul3A_132, %dma_start3A_139] : memref<10000x64xf32, #tpu.memory_space<vmem_shared>> -> memref<80x64xf32, #tpu.memory_space<vmem_shared>>
        tpu.enqueue_dma source(%dma_start3A_140 : memref<80x64xf32, #tpu.memory_space<vmem_shared>>) target(%dma_start3A_138 : memref<80x64xf32, #tpu.memory_space<hbm>>) target_semaphore(%run_scoped3A : memref<!tpu.dma_semaphore, #tpu.memory_space<semaphore_mem>>)
        %dma_wait3A = arith.constant 0 : i32
        %dma_wait3A_141 = tpu.memref_slice %arg8[%add3A_137, %dma_wait3A] : memref<40000x64xf32, #tpu.memory_space<hbm>> -> memref<80x64xf32, #tpu.memory_space<hbm>>
        %dma_wait3A_142 = arith.constant 0 : i32
        %dma_wait3A_143 = tpu.memref_slice %arg18[%mul3A_132, %dma_wait3A_142] : memref<10000x64xf32, #tpu.memory_space<vmem_shared>> -> memref<80x64xf32, #tpu.memory_space<vmem_shared>>
        tpu.wait_dma2 semaphore(%run_scoped3A : memref<!tpu.dma_semaphore, #tpu.memory_space<semaphore_mem>>) src(%dma_wait3A_143 : memref<80x64xf32, #tpu.memory_space<vmem_shared>>) dst(%dma_wait3A_141 : memref<80x64xf32, #tpu.memory_space<hbm>>)
        tpu.yield
      }) : () -> ()
    }
    "tpu.region"() ({
      %run_scoped3A = tpu.sem_alloc : memref<!tpu.dma_semaphore, #tpu.memory_space<semaphore_mem>>
      %dma_start3A = arith.constant 0 : i32
      %dma_start3A_128 = tpu.memref_slice %arg9[%add3A, %dma_start3A] : memref<32x10000xf32, #tpu.memory_space<hbm>> -> memref<1x10000xf32, #tpu.memory_space<hbm>>
      %dma_start3A_129 = tpu.memref_squeeze %dma_start3A_128 : memref<1x10000xf32, #tpu.memory_space<hbm>> -> memref<10000xf32, #tpu.memory_space<hbm>>
      %dma_start3A_130 = arith.constant 0 : i32
      %dma_start3A_131 = tpu.memref_slice %arg9[%add3A, %dma_start3A_130] : memref<32x10000xf32, #tpu.memory_space<hbm>> -> memref<1x10000xf32, #tpu.memory_space<hbm>>
      %dma_start3A_132 = tpu.memref_squeeze %dma_start3A_131 : memref<1x10000xf32, #tpu.memory_space<hbm>> -> memref<10000xf32, #tpu.memory_space<hbm>>
      tpu.enqueue_dma source(%arg17 : memref<10000xf32, #tpu.memory_space<vmem>>) target(%dma_start3A_132 : memref<10000xf32, #tpu.memory_space<hbm>>) target_semaphore(%run_scoped3A : memref<!tpu.dma_semaphore, #tpu.memory_space<semaphore_mem>>)
      %dma_wait3A = arith.constant 0 : i32
      %dma_wait3A_133 = tpu.memref_slice %arg9[%add3A, %dma_wait3A] : memref<32x10000xf32, #tpu.memory_space<hbm>> -> memref<1x10000xf32, #tpu.memory_space<hbm>>
      %dma_wait3A_134 = tpu.memref_squeeze %dma_wait3A_133 : memref<1x10000xf32, #tpu.memory_space<hbm>> -> memref<10000xf32, #tpu.memory_space<hbm>>
      %dma_wait3A_135 = arith.constant 0 : i32
      %dma_wait3A_136 = tpu.memref_slice %arg9[%add3A, %dma_wait3A_135] : memref<32x10000xf32, #tpu.memory_space<hbm>> -> memref<1x10000xf32, #tpu.memory_space<hbm>>
      %dma_wait3A_137 = tpu.memref_squeeze %dma_wait3A_136 : memref<1x10000xf32, #tpu.memory_space<hbm>> -> memref<10000xf32, #tpu.memory_space<hbm>>
      tpu.wait_dma2 semaphore(%run_scoped3A : memref<!tpu.dma_semaphore, #tpu.memory_space<semaphore_mem>>) src(%arg17 : memref<10000xf32, #tpu.memory_space<vmem>>) dst(%dma_wait3A_137 : memref<10000xf32, #tpu.memory_space<hbm>>)
      tpu.yield
    }) : () -> ()
    %scan3A_64 = arith.constant 0 : i32
    %scan3A_65 = arith.constant 80 : i32
    %scan3A_66 = arith.addi %scan3A_64, %scan3A_65 : i32
    %scan3A_67 = arith.constant 1 : i32
    scf.for %scan3A_128 = %scan3A_64 to %scan3A_66 step %scan3A_67  : i32 {
      %mul3A_129 = arith.constant 1 : i32
      %mul3A_130 = arith.muli %scan3A_128, %mul3A_129 : i32
      %add3A_131 = arith.constant 0 : i32
      %add3A_132 = arith.addi %add3A_131, %mul3A_130 : i32
      %broadcast_in_dim3A = arith.constant 0.000000e+00 : f32
      %broadcast_in_dim3A_133 = vector.broadcast %broadcast_in_dim3A : f32 to vector<16xf32>
      %swap3A = arith.constant 0 : i32
      %swap3A_134 = arith.index_cast %swap3A : i32 to index
      %swap3A_135 = arith.index_cast %add3A_132 : i32 to index
      %swap3A_136 = arith.constant 0 : index
      %swap3A_137 = tpu.vector_load %arg16[%swap3A_134, %swap3A_135, %swap3A_136] {strides = array<i32>} : memref<5x80x64xf32, #tpu.memory_space<vmem>>, vector<16xf32>,
      tpu.vector_store %arg16[%swap3A_134, %swap3A_135, %swap3A_136], %broadcast_in_dim3A_133 {strides = array<i32>} : memref<5x80x64xf32, #tpu.memory_space<vmem>>, vector<16xf32>,
      %broadcast_in_dim3A_138 = arith.constant 0.000000e+00 : f32
      %broadcast_in_dim3A_139 = vector.broadcast %broadcast_in_dim3A_138 : f32 to vector<16xf32>
      %swap3A_140 = arith.constant 0 : i32
      %swap3A_141 = arith.index_cast %swap3A_140 : i32 to index
      %swap3A_142 = arith.index_cast %add3A_132 : i32 to index
      %swap3A_143 = arith.constant 16 : index
      %swap3A_144 = tpu.vector_load %arg16[%swap3A_141, %swap3A_142, %swap3A_143] {strides = array<i32>} : memref<5x80x64xf32, #tpu.memory_space<vmem>>, vector<16xf32>,
      tpu.vector_store %arg16[%swap3A_141, %swap3A_142, %swap3A_143], %broadcast_in_dim3A_139 {strides = array<i32>} : memref<5x80x64xf32, #tpu.memory_space<vmem>>, vector<16xf32>,
      %broadcast_in_dim3A_145 = arith.constant 0.000000e+00 : f32
      %broadcast_in_dim3A_146 = vector.broadcast %broadcast_in_dim3A_145 : f32 to vector<16xf32>
      %swap3A_147 = arith.constant 0 : i32
      %swap3A_148 = arith.index_cast %swap3A_147 : i32 to index
      %swap3A_149 = arith.index_cast %add3A_132 : i32 to index
      %swap3A_150 = arith.constant 32 : index
      %swap3A_151 = tpu.vector_load %arg16[%swap3A_148, %swap3A_149, %swap3A_150] {strides = array<i32>} : memref<5x80x64xf32, #tpu.memory_space<vmem>>, vector<16xf32>,
      tpu.vector_store %arg16[%swap3A_148, %swap3A_149, %swap3A_150], %broadcast_in_dim3A_146 {strides = array<i32>} : memref<5x80x64xf32, #tpu.memory_space<vmem>>, vector<16xf32>,
      %broadcast_in_dim3A_152 = arith.constant 0.000000e+00 : f32
      %broadcast_in_dim3A_153 = vector.broadcast %broadcast_in_dim3A_152 : f32 to vector<16xf32>
      %swap3A_154 = arith.constant 0 : i32
      %swap3A_155 = arith.index_cast %swap3A_154 : i32 to index
      %swap3A_156 = arith.index_cast %add3A_132 : i32 to index
      %swap3A_157 = arith.constant 48 : index
      %swap3A_158 = tpu.vector_load %arg16[%swap3A_155, %swap3A_156, %swap3A_157] {strides = array<i32>} : memref<5x80x64xf32, #tpu.memory_space<vmem>>, vector<16xf32>,
      tpu.vector_store %arg16[%swap3A_155, %swap3A_156, %swap3A_157], %broadcast_in_dim3A_153 {strides = array<i32>} : memref<5x80x64xf32, #tpu.memory_space<vmem>>, vector<16xf32>,
    }
    %scan3A_68 = arith.constant 80 : i32
    %sub3A_69 = arith.constant 125 : i32
    %sub3A_70 = arith.subi %sub3A_69, %arg1 : i32
    %sub3A_71 = arith.constant 16 : i32
    %sub3A_72 = arith.constant 1 : i32
    %sub3A_73 = arith.subi %sub3A_71, %sub3A_72 : i32
    %add3A_74 = arith.addi %sub3A_70, %sub3A_73 : i32
    %div3A_75 = arith.constant 16 : i32
    %div3A_76 = arith.divsi %add3A_74, %div3A_75 : i32
    %while3A_77 = arith.constant 16 : i32
    %while3A_78 = arith.constant 0 : i32
    %while3A_79 = arith.subi %div3A_76, %while3A_78 : i32
    %while3A_80 = arith.addi %while3A_78, %while3A_79 : i32
    %while3A_81 = arith.constant 1 : i32
    %while3A_82 = arith.divsi %while3A_79, %while3A_81 : i32
    %while3A_83 = arith.muli %while3A_82, %while3A_81 : i32
    %while3A_84 = arith.addi %while3A_78, %while3A_83 : i32
    %while3A_85 = arith.constant 1 : i32
    scf.for %while3A_128 = %while3A_78 to %while3A_84 step %while3A_85  : i32 {
      %mul3A_129 = arith.muli %while3A_128, %while3A_77 : i32
      %add3A_130 = arith.addi %arg1, %mul3A_129 : i32
      %mul3A_131 = arith.constant 80 : i32
      %mul3A_132 = arith.muli %add3A_130, %mul3A_131 : i32
      %run_scoped3A = arith.constant 0 : i32
      "tpu.region"() ({
        %run_scoped3A_133 = tpu.sem_alloc : memref<!tpu.dma_semaphore, #tpu.memory_space<semaphore_mem>>
        %dma_start3A = arith.constant 0 : i32
        %dma_start3A_134 = arith.constant 0 : i32
        %dma_start3A_135 = tpu.memref_slice %arg16[%run_scoped3A, %dma_start3A, %dma_start3A_134] : memref<5x80x64xf32, #tpu.memory_space<vmem>> -> memref<1x80x64xf32, #tpu.memory_space<vmem>>
        %dma_start3A_136 = tpu.memref_squeeze %dma_start3A_135 : memref<1x80x64xf32, #tpu.memory_space<vmem>> -> memref<80x64xf32, #tpu.memory_space<vmem>>
        %dma_start3A_137 = arith.constant 0 : i32
        %dma_start3A_138 = tpu.memref_slice %arg18[%mul3A_132, %dma_start3A_137] : memref<10000x64xf32, #tpu.memory_space<vmem_shared>> -> memref<80x64xf32, #tpu.memory_space<vmem_shared>>
        %dma_start3A_139 = arith.constant 0 : i32
        %dma_start3A_140 = tpu.memref_slice %arg18[%mul3A_132, %dma_start3A_139] : memref<10000x64xf32, #tpu.memory_space<vmem_shared>> -> memref<80x64xf32, #tpu.memory_space<vmem_shared>>
        %dma_start3A_141 = arith.constant 0 : i32
        %dma_start3A_142 = arith.constant 0 : i32
        %dma_start3A_143 = tpu.memref_slice %arg16[%run_scoped3A, %dma_start3A_141, %dma_start3A_142] : memref<5x80x64xf32, #tpu.memory_space<vmem>> -> memref<1x80x64xf32, #tpu.memory_space<vmem>>
        %dma_start3A_144 = tpu.memref_squeeze %dma_start3A_143 : memref<1x80x64xf32, #tpu.memory_space<vmem>> -> memref<80x64xf32, #tpu.memory_space<vmem>>
        tpu.enqueue_dma source(%dma_start3A_144 : memref<80x64xf32, #tpu.memory_space<vmem>>) target(%dma_start3A_140 : memref<80x64xf32, #tpu.memory_space<vmem_shared>>) target_semaphore(%run_scoped3A_133 : memref<!tpu.dma_semaphore, #tpu.memory_space<semaphore_mem>>)
        %dma_wait3A = arith.constant 0 : i32
        %dma_wait3A_145 = arith.constant 0 : i32
        %dma_wait3A_146 = tpu.memref_slice %arg16[%run_scoped3A, %dma_wait3A, %dma_wait3A_145] : memref<5x80x64xf32, #tpu.memory_space<vmem>> -> memref<1x80x64xf32, #tpu.memory_space<vmem>>
        %dma_wait3A_147 = tpu.memref_squeeze %dma_wait3A_146 : memref<1x80x64xf32, #tpu.memory_space<vmem>> -> memref<80x64xf32, #tpu.memory_space<vmem>>
        %dma_wait3A_148 = arith.constant 0 : i32
        %dma_wait3A_149 = tpu.memref_slice %arg18[%mul3A_132, %dma_wait3A_148] : memref<10000x64xf32, #tpu.memory_space<vmem_shared>> -> memref<80x64xf32, #tpu.memory_space<vmem_shared>>
        %dma_wait3A_150 = arith.constant 0 : i32
        %dma_wait3A_151 = tpu.memref_slice %arg18[%mul3A_132, %dma_wait3A_150] : memref<10000x64xf32, #tpu.memory_space<vmem_shared>> -> memref<80x64xf32, #tpu.memory_space<vmem_shared>>
        %dma_wait3A_152 = arith.constant 0 : i32
        %dma_wait3A_153 = arith.constant 0 : i32
        %dma_wait3A_154 = tpu.memref_slice %arg16[%run_scoped3A, %dma_wait3A_152, %dma_wait3A_153] : memref<5x80x64xf32, #tpu.memory_space<vmem>> -> memref<1x80x64xf32, #tpu.memory_space<vmem>>
        %dma_wait3A_155 = tpu.memref_squeeze %dma_wait3A_154 : memref<1x80x64xf32, #tpu.memory_space<vmem>> -> memref<80x64xf32, #tpu.memory_space<vmem>>
        tpu.wait_dma2 semaphore(%run_scoped3A_133 : memref<!tpu.dma_semaphore, #tpu.memory_space<semaphore_mem>>) src(%dma_wait3A_155 : memref<80x64xf32, #tpu.memory_space<vmem>>) dst(%dma_wait3A_151 : memref<80x64xf32, #tpu.memory_space<vmem_shared>>)
        tpu.yield
      }) : () -> ()
    }
    %while3A_86 = arith.constant 1 : i32
    scf.for %while3A_128 = %while3A_84 to %while3A_80 step %while3A_86  : i32 {
      %mul3A_129 = arith.muli %while3A_128, %while3A_77 : i32
      %add3A_130 = arith.addi %arg1, %mul3A_129 : i32
      %mul3A_131 = arith.constant 80 : i32
      %mul3A_132 = arith.muli %add3A_130, %mul3A_131 : i32
      %run_scoped3A = arith.constant 0 : i32
      "tpu.region"() ({
        %run_scoped3A_133 = tpu.sem_alloc : memref<!tpu.dma_semaphore, #tpu.memory_space<semaphore_mem>>
        %dma_start3A = arith.constant 0 : i32
        %dma_start3A_134 = arith.constant 0 : i32
        %dma_start3A_135 = tpu.memref_slice %arg16[%run_scoped3A, %dma_start3A, %dma_start3A_134] : memref<5x80x64xf32, #tpu.memory_space<vmem>> -> memref<1x80x64xf32, #tpu.memory_space<vmem>>
        %dma_start3A_136 = tpu.memref_squeeze %dma_start3A_135 : memref<1x80x64xf32, #tpu.memory_space<vmem>> -> memref<80x64xf32, #tpu.memory_space<vmem>>
        %dma_start3A_137 = arith.constant 0 : i32
        %dma_start3A_138 = tpu.memref_slice %arg18[%mul3A_132, %dma_start3A_137] : memref<10000x64xf32, #tpu.memory_space<vmem_shared>> -> memref<80x64xf32, #tpu.memory_space<vmem_shared>>
        %dma_start3A_139 = arith.constant 0 : i32
        %dma_start3A_140 = tpu.memref_slice %arg18[%mul3A_132, %dma_start3A_139] : memref<10000x64xf32, #tpu.memory_space<vmem_shared>> -> memref<80x64xf32, #tpu.memory_space<vmem_shared>>
        %dma_start3A_141 = arith.constant 0 : i32
        %dma_start3A_142 = arith.constant 0 : i32
        %dma_start3A_143 = tpu.memref_slice %arg16[%run_scoped3A, %dma_start3A_141, %dma_start3A_142] : memref<5x80x64xf32, #tpu.memory_space<vmem>> -> memref<1x80x64xf32, #tpu.memory_space<vmem>>
        %dma_start3A_144 = tpu.memref_squeeze %dma_start3A_143 : memref<1x80x64xf32, #tpu.memory_space<vmem>> -> memref<80x64xf32, #tpu.memory_space<vmem>>
        tpu.enqueue_dma source(%dma_start3A_144 : memref<80x64xf32, #tpu.memory_space<vmem>>) target(%dma_start3A_140 : memref<80x64xf32, #tpu.memory_space<vmem_shared>>) target_semaphore(%run_scoped3A_133 : memref<!tpu.dma_semaphore, #tpu.memory_space<semaphore_mem>>)
        %dma_wait3A = arith.constant 0 : i32
        %dma_wait3A_145 = arith.constant 0 : i32
        %dma_wait3A_146 = tpu.memref_slice %arg16[%run_scoped3A, %dma_wait3A, %dma_wait3A_145] : memref<5x80x64xf32, #tpu.memory_space<vmem>> -> memref<1x80x64xf32, #tpu.memory_space<vmem>>
        %dma_wait3A_147 = tpu.memref_squeeze %dma_wait3A_146 : memref<1x80x64xf32, #tpu.memory_space<vmem>> -> memref<80x64xf32, #tpu.memory_space<vmem>>
        %dma_wait3A_148 = arith.constant 0 : i32
        %dma_wait3A_149 = tpu.memref_slice %arg18[%mul3A_132, %dma_wait3A_148] : memref<10000x64xf32, #tpu.memory_space<vmem_shared>> -> memref<80x64xf32, #tpu.memory_space<vmem_shared>>
        %dma_wait3A_150 = arith.constant 0 : i32
        %dma_wait3A_151 = tpu.memref_slice %arg18[%mul3A_132, %dma_wait3A_150] : memref<10000x64xf32, #tpu.memory_space<vmem_shared>> -> memref<80x64xf32, #tpu.memory_space<vmem_shared>>
        %dma_wait3A_152 = arith.constant 0 : i32
        %dma_wait3A_153 = arith.constant 0 : i32
        %dma_wait3A_154 = tpu.memref_slice %arg16[%run_scoped3A, %dma_wait3A_152, %dma_wait3A_153] : memref<5x80x64xf32, #tpu.memory_space<vmem>> -> memref<1x80x64xf32, #tpu.memory_space<vmem>>
        %dma_wait3A_155 = tpu.memref_squeeze %dma_wait3A_154 : memref<1x80x64xf32, #tpu.memory_space<vmem>> -> memref<80x64xf32, #tpu.memory_space<vmem>>
        tpu.wait_dma2 semaphore(%run_scoped3A_133 : memref<!tpu.dma_semaphore, #tpu.memory_space<semaphore_mem>>) src(%dma_wait3A_155 : memref<80x64xf32, #tpu.memory_space<vmem>>) dst(%dma_wait3A_151 : memref<80x64xf32, #tpu.memory_space<vmem_shared>>)
        tpu.yield
      }) : () -> ()
    }
    %barrier3A_87 = arith.constant 0 : index
    tpu.barrier barrier_id(%barrier3A_87)
    %scan3A_88 = arith.constant 5 : i32
    %scan3A_89 = arith.constant 0 : i32
    %scan3A_90 = arith.constant 3 : i32
    %scan3A_91 = arith.addi %scan3A_89, %scan3A_90 : i32
    %scan3A_92 = arith.constant 1 : i32
    scf.for %scan3A_128 = %scan3A_89 to %scan3A_91 step %scan3A_92  : i32 {
      %mul3A_129 = arith.constant 1 : i32
      %mul3A_130 = arith.muli %scan3A_128, %mul3A_129 : i32
      %add3A_131 = arith.constant 0 : i32
      %add3A_132 = arith.addi %add3A_131, %mul3A_130 : i32
      %rem3A = arith.remsi %add3A_132, %scan3A_88 : i32
      %dma_start3A = arith.constant 0 : i32
      %dma_start3A_133 = arith.constant 0 : i32
      %dma_start3A_134 = tpu.memref_slice %arg15[%rem3A, %dma_start3A, %dma_start3A_133] : memref<5x80x64xbf16, #tpu.memory_space<vmem>> -> memref<1x80x64xbf16, #tpu.memory_space<vmem>>
      %dma_start3A_135 = tpu.memref_squeeze %dma_start3A_134 : memref<1x80x64xbf16, #tpu.memory_space<vmem>> -> memref<80x64xbf16, #tpu.memory_space<vmem>>
      %dma_start3A_136 = arith.constant 0 : i32
      %dma_start3A_137 = tpu.memref_slice %arg12[%add3A_132, %dma_start3A_136] : memref<125x80xi32, #tpu.memory_space<vmem>> -> memref<1x80xi32, #tpu.memory_space<vmem>>
      %dma_start3A_138 = tpu.memref_squeeze %dma_start3A_137 : memref<1x80xi32, #tpu.memory_space<vmem>> -> memref<80xi32, #tpu.memory_space<vmem>>
      %dma_start3A_139 = arith.constant 0 : i32
      %dma_start3A_140 = arith.constant 0 : i32
      %dma_start3A_141 = tpu.memref_slice %arg7[%dma_start3A_139, %dma_start3A_140] : memref<10000x64xbf16, #tpu.memory_space<hbm>> -> memref<10000x64xbf16, #tpu.memory_space<hbm>>
      %dma_start3A_142 = tpu.memref_slice %arg19[%rem3A] : memref<5x!tpu.dma_semaphore, #tpu.memory_space<semaphore_mem>> -> memref<1x!tpu.dma_semaphore, #tpu.memory_space<semaphore_mem>>
      %dma_start3A_143 = tpu.memref_squeeze %dma_start3A_142 : memref<1x!tpu.dma_semaphore, #tpu.memory_space<semaphore_mem>> -> memref<!tpu.dma_semaphore, #tpu.memory_space<semaphore_mem>>
      tpu.enqueue_indirect_dma source(%dma_start3A_141 : memref<10000x64xbf16, #tpu.memory_space<hbm>>) target(%dma_start3A_135 : memref<80x64xbf16, #tpu.memory_space<vmem>>) offsets(%dma_start3A_138 : memref<80xi32, #tpu.memory_space<vmem>>) semaphore(%dma_start3A_143 : memref<!tpu.dma_semaphore, #tpu.memory_space<semaphore_mem>>)
    }
    %scan3A_93 = arith.constant 3 : i32
    %scan3A_94 = arith.constant 5 : i32
    %scan3A_95 = arith.constant 0 : i32
    %scan3A_96 = arith.constant 125 : i32
    %scan3A_97 = arith.addi %scan3A_95, %scan3A_96 : i32
    %scan3A_98 = arith.constant 1 : i32
    scf.for %scan3A_128 = %scan3A_95 to %scan3A_97 step %scan3A_98  : i32 {
      %mul3A_129 = arith.constant 1 : i32
      %mul3A_130 = arith.muli %scan3A_128, %mul3A_129 : i32
      %add3A_131 = arith.constant 0 : i32
      %add3A_132 = arith.addi %add3A_131, %mul3A_130 : i32
      %rem3A = arith.remsi %add3A_132, %scan3A_94 : i32
      %dma_wait3A = arith.constant 0 : i32
      %dma_wait3A_133 = arith.constant 0 : i32
      %dma_wait3A_134 = tpu.memref_slice %arg15[%rem3A, %dma_wait3A, %dma_wait3A_133] : memref<5x80x64xbf16, #tpu.memory_space<vmem>> -> memref<1x80x64xbf16, #tpu.memory_space<vmem>>
      %dma_wait3A_135 = tpu.memref_squeeze %dma_wait3A_134 : memref<1x80x64xbf16, #tpu.memory_space<vmem>> -> memref<80x64xbf16, #tpu.memory_space<vmem>>
      %dma_wait3A_136 = arith.constant 0 : i32
      %dma_wait3A_137 = arith.constant 0 : i32
      %dma_wait3A_138 = tpu.memref_slice %arg7[%dma_wait3A_136, %dma_wait3A_137] : memref<10000x64xbf16, #tpu.memory_space<hbm>> -> memref<80x64xbf16, #tpu.memory_space<hbm>>
      %dma_wait3A_139 = tpu.memref_slice %arg19[%rem3A] : memref<5x!tpu.dma_semaphore, #tpu.memory_space<semaphore_mem>> -> memref<1x!tpu.dma_semaphore, #tpu.memory_space<semaphore_mem>>
      %dma_wait3A_140 = tpu.memref_squeeze %dma_wait3A_139 : memref<1x!tpu.dma_semaphore, #tpu.memory_space<semaphore_mem>> -> memref<!tpu.dma_semaphore, #tpu.memory_space<semaphore_mem>>
      %dma_wait3A_141 = arith.constant 0 : i32
      %dma_wait3A_142 = arith.constant 0 : i32
      %dma_wait3A_143 = tpu.memref_slice %arg15[%rem3A, %dma_wait3A_141, %dma_wait3A_142] : memref<5x80x64xbf16, #tpu.memory_space<vmem>> -> memref<1x80x64xbf16, #tpu.memory_space<vmem>>
      %dma_wait3A_144 = tpu.memref_squeeze %dma_wait3A_143 : memref<1x80x64xbf16, #tpu.memory_space<vmem>> -> memref<80x64xbf16, #tpu.memory_space<vmem>>
      %dma_wait3A_145 = arith.constant 0 : i32
      %dma_wait3A_146 = arith.constant 0 : i32
      %dma_wait3A_147 = tpu.memref_slice %arg7[%dma_wait3A_145, %dma_wait3A_146] : memref<10000x64xbf16, #tpu.memory_space<hbm>> -> memref<80x64xbf16, #tpu.memory_space<hbm>>
      tpu.wait_dma2 semaphore(%dma_wait3A_140 : memref<!tpu.dma_semaphore, #tpu.memory_space<semaphore_mem>>) src(%dma_wait3A_147 : memref<80x64xbf16, #tpu.memory_space<hbm>>) dst(%dma_wait3A_144 : memref<80x64xbf16, #tpu.memory_space<vmem>>)
      %ge3A = arith.constant 5 : i32
      %ge3A_148 = arith.cmpi sge, %add3A_132, %ge3A : i32
      %convert_element_type3A = arith.extui %ge3A_148 : i1 to i32
      %cond3A = arith.constant 0 : i32
      %cond3A_149 = arith.cmpi ne, %convert_element_type3A, %cond3A : i32
      scf.if %cond3A_149 {
        %dma_wait3A_257 = arith.constant 0 : i32
        %dma_wait3A_258 = arith.constant 0 : i32
        %dma_wait3A_259 = tpu.memref_slice %arg16[%rem3A, %dma_wait3A_257, %dma_wait3A_258] : memref<5x80x64xf32, #tpu.memory_space<vmem>> -> memref<1x80x64xf32, #tpu.memory_space<vmem>>
        %dma_wait3A_260 = tpu.memref_squeeze %dma_wait3A_259 : memref<1x80x64xf32, #tpu.memory_space<vmem>> -> memref<80x64xf32, #tpu.memory_space<vmem>>
        %dma_wait3A_261 = arith.constant 0 : i32
        %dma_wait3A_262 = arith.constant 0 : i32
        %dma_wait3A_263 = tpu.memref_slice %arg18[%dma_wait3A_261, %dma_wait3A_262] : memref<10000x64xf32, #tpu.memory_space<vmem_shared>> -> memref<80x64xf32, #tpu.memory_space<vmem_shared>>
        %dma_wait3A_264 = tpu.memref_slice %arg20[%rem3A] : memref<5x!tpu.dma_semaphore, #tpu.memory_space<semaphore_mem>> -> memref<1x!tpu.dma_semaphore, #tpu.memory_space<semaphore_mem>>
        %dma_wait3A_265 = tpu.memref_squeeze %dma_wait3A_264 : memref<1x!tpu.dma_semaphore, #tpu.memory_space<semaphore_mem>> -> memref<!tpu.dma_semaphore, #tpu.memory_space<semaphore_mem>>
        %dma_wait3A_266 = arith.constant 0 : i32
        %dma_wait3A_267 = arith.constant 0 : i32
        %dma_wait3A_268 = tpu.memref_slice %arg18[%dma_wait3A_266, %dma_wait3A_267] : memref<10000x64xf32, #tpu.memory_space<vmem_shared>> -> memref<80x64xf32, #tpu.memory_space<vmem_shared>>
        %dma_wait3A_269 = arith.constant 0 : i32
        %dma_wait3A_270 = arith.constant 0 : i32
        %dma_wait3A_271 = tpu.memref_slice %arg16[%rem3A, %dma_wait3A_269, %dma_wait3A_270] : memref<5x80x64xf32, #tpu.memory_space<vmem>> -> memref<1x80x64xf32, #tpu.memory_space<vmem>>
        %dma_wait3A_272 = tpu.memref_squeeze %dma_wait3A_271 : memref<1x80x64xf32, #tpu.memory_space<vmem>> -> memref<80x64xf32, #tpu.memory_space<vmem>>
        tpu.wait_dma2 semaphore(%dma_wait3A_265 : memref<!tpu.dma_semaphore, #tpu.memory_space<semaphore_mem>>) src(%dma_wait3A_272 : memref<80x64xf32, #tpu.memory_space<vmem>>) dst(%dma_wait3A_268 : memref<80x64xf32, #tpu.memory_space<vmem_shared>>)
      } else {
      }
      %get3A = arith.index_cast %add3A_132 : i32 to index
      %get3A_150 = arith.constant 0 : index
      %get3A_151 = tpu.vector_load %arg12[%get3A, %get3A_150] {strides = array<i32>} : memref<125x80xi32, #tpu.memory_space<vmem>>, vector<16xi32>,
      %get3A_152 = arith.index_cast %add3A_132 : i32 to index
      %get3A_153 = arith.constant 0 : index
      %get3A_154 = tpu.vector_load %arg13[%get3A_152, %get3A_153] {strides = array<i32>} : memref<125x80xi32, #tpu.memory_space<vmem>>, vector<16xi32>,
      %gather3A = tpu.vector_load_idx %arg10[%get3A_151] : memref<10000xf32, #tpu.memory_space<vmem>>[vector<16xi32>], vector<16xf32>,
      %gather3A_155 = tpu.vector_load_idx %arg10[%get3A_154] : memref<10000xf32, #tpu.memory_space<vmem>>[vector<16xi32>], vector<16xf32>,
      %gather3A_156 = tpu.vector_load_idx %arg11[%get3A_151] : memref<10000xf32, #tpu.memory_space<vmem>>[vector<16xi32>], vector<16xf32>,
      %sub3A_157 = arith.subf %gather3A, %gather3A_155 : vector<16xf32>
      %abs3A = math.absf %sub3A_157 : vector<16xf32>
      %mul3A_158 = arith.mulf %gather3A_156, %abs3A : vector<16xf32>
      %mul3A_159 = arith.constant -2.000000e-03 : f32
      %mul3A_160 = vector.broadcast %mul3A_159 : f32 to vector<16xf32>
      %mul3A_161 = arith.mulf %mul3A_158, %mul3A_160 : vector<16xf32>
      %exp3A = math.exp %mul3A_161 : vector<16xf32>
      %swap3A = arith.constant 0 : index
      %swap3A_162 = tpu.vector_load %arg14[%swap3A] {strides = array<i32>} : memref<96xf32, #tpu.memory_space<vmem>>, vector<16xf32>,
      tpu.vector_store %arg14[%swap3A], %exp3A {strides = array<i32>} : memref<96xf32, #tpu.memory_space<vmem>>, vector<16xf32>,
      %get3A_163 = arith.index_cast %add3A_132 : i32 to index
      %get3A_164 = arith.constant 16 : index
      %get3A_165 = tpu.vector_load %arg12[%get3A_163, %get3A_164] {strides = array<i32>} : memref<125x80xi32, #tpu.memory_space<vmem>>, vector<16xi32>,
      %get3A_166 = arith.index_cast %add3A_132 : i32 to index
      %get3A_167 = arith.constant 16 : index
      %get3A_168 = tpu.vector_load %arg13[%get3A_166, %get3A_167] {strides = array<i32>} : memref<125x80xi32, #tpu.memory_space<vmem>>, vector<16xi32>,
      %gather3A_169 = tpu.vector_load_idx %arg10[%get3A_165] : memref<10000xf32, #tpu.memory_space<vmem>>[vector<16xi32>], vector<16xf32>,
      %gather3A_170 = tpu.vector_load_idx %arg10[%get3A_168] : memref<10000xf32, #tpu.memory_space<vmem>>[vector<16xi32>], vector<16xf32>,
      %gather3A_171 = tpu.vector_load_idx %arg11[%get3A_165] : memref<10000xf32, #tpu.memory_space<vmem>>[vector<16xi32>], vector<16xf32>,
      %sub3A_172 = arith.subf %gather3A_169, %gather3A_170 : vector<16xf32>
      %abs3A_173 = math.absf %sub3A_172 : vector<16xf32>
      %mul3A_174 = arith.mulf %gather3A_171, %abs3A_173 : vector<16xf32>
      %mul3A_175 = arith.constant -2.000000e-03 : f32
      %mul3A_176 = vector.broadcast %mul3A_175 : f32 to vector<16xf32>
      %mul3A_177 = arith.mulf %mul3A_174, %mul3A_176 : vector<16xf32>
      %exp3A_178 = math.exp %mul3A_177 : vector<16xf32>
      %swap3A_179 = arith.constant 16 : index
      %swap3A_180 = tpu.vector_load %arg14[%swap3A_179] {strides = array<i32>} : memref<96xf32, #tpu.memory_space<vmem>>, vector<16xf32>,
      tpu.vector_store %arg14[%swap3A_179], %exp3A_178 {strides = array<i32>} : memref<96xf32, #tpu.memory_space<vmem>>, vector<16xf32>,
      %get3A_181 = arith.index_cast %add3A_132 : i32 to index
      %get3A_182 = arith.constant 32 : index
      %get3A_183 = tpu.vector_load %arg12[%get3A_181, %get3A_182] {strides = array<i32>} : memref<125x80xi32, #tpu.memory_space<vmem>>, vector<16xi32>,
      %get3A_184 = arith.index_cast %add3A_132 : i32 to index
      %get3A_185 = arith.constant 32 : index
      %get3A_186 = tpu.vector_load %arg13[%get3A_184, %get3A_185] {strides = array<i32>} : memref<125x80xi32, #tpu.memory_space<vmem>>, vector<16xi32>,
      %gather3A_187 = tpu.vector_load_idx %arg10[%get3A_183] : memref<10000xf32, #tpu.memory_space<vmem>>[vector<16xi32>], vector<16xf32>,
      %gather3A_188 = tpu.vector_load_idx %arg10[%get3A_186] : memref<10000xf32, #tpu.memory_space<vmem>>[vector<16xi32>], vector<16xf32>,
      %gather3A_189 = tpu.vector_load_idx %arg11[%get3A_183] : memref<10000xf32, #tpu.memory_space<vmem>>[vector<16xi32>], vector<16xf32>,
      %sub3A_190 = arith.subf %gather3A_187, %gather3A_188 : vector<16xf32>
      %abs3A_191 = math.absf %sub3A_190 : vector<16xf32>
      %mul3A_192 = arith.mulf %gather3A_189, %abs3A_191 : vector<16xf32>
      %mul3A_193 = arith.constant -2.000000e-03 : f32
      %mul3A_194 = vector.broadcast %mul3A_193 : f32 to vector<16xf32>
      %mul3A_195 = arith.mulf %mul3A_192, %mul3A_194 : vector<16xf32>
      %exp3A_196 = math.exp %mul3A_195 : vector<16xf32>
      %swap3A_197 = arith.constant 32 : index
      %swap3A_198 = tpu.vector_load %arg14[%swap3A_197] {strides = array<i32>} : memref<96xf32, #tpu.memory_space<vmem>>, vector<16xf32>,
      tpu.vector_store %arg14[%swap3A_197], %exp3A_196 {strides = array<i32>} : memref<96xf32, #tpu.memory_space<vmem>>, vector<16xf32>,
      %get3A_199 = arith.index_cast %add3A_132 : i32 to index
      %get3A_200 = arith.constant 48 : index
      %get3A_201 = tpu.vector_load %arg12[%get3A_199, %get3A_200] {strides = array<i32>} : memref<125x80xi32, #tpu.memory_space<vmem>>, vector<16xi32>,
      %get3A_202 = arith.index_cast %add3A_132 : i32 to index
      %get3A_203 = arith.constant 48 : index
      %get3A_204 = tpu.vector_load %arg13[%get3A_202, %get3A_203] {strides = array<i32>} : memref<125x80xi32, #tpu.memory_space<vmem>>, vector<16xi32>,
      %gather3A_205 = tpu.vector_load_idx %arg10[%get3A_201] : memref<10000xf32, #tpu.memory_space<vmem>>[vector<16xi32>], vector<16xf32>,
      %gather3A_206 = tpu.vector_load_idx %arg10[%get3A_204] : memref<10000xf32, #tpu.memory_space<vmem>>[vector<16xi32>], vector<16xf32>,
      %gather3A_207 = tpu.vector_load_idx %arg11[%get3A_201] : memref<10000xf32, #tpu.memory_space<vmem>>[vector<16xi32>], vector<16xf32>,
      %sub3A_208 = arith.subf %gather3A_205, %gather3A_206 : vector<16xf32>
      %abs3A_209 = math.absf %sub3A_208 : vector<16xf32>
      %mul3A_210 = arith.mulf %gather3A_207, %abs3A_209 : vector<16xf32>
      %mul3A_211 = arith.constant -2.000000e-03 : f32
      %mul3A_212 = vector.broadcast %mul3A_211 : f32 to vector<16xf32>
      %mul3A_213 = arith.mulf %mul3A_210, %mul3A_212 : vector<16xf32>
      %exp3A_214 = math.exp %mul3A_213 : vector<16xf32>
      %swap3A_215 = arith.constant 48 : index
      %swap3A_216 = tpu.vector_load %arg14[%swap3A_215] {strides = array<i32>} : memref<96xf32, #tpu.memory_space<vmem>>, vector<16xf32>,
      tpu.vector_store %arg14[%swap3A_215], %exp3A_214 {strides = array<i32>} : memref<96xf32, #tpu.memory_space<vmem>>, vector<16xf32>,
      %get3A_217 = arith.index_cast %add3A_132 : i32 to index
      %get3A_218 = arith.constant 64 : index
      %get3A_219 = tpu.vector_load %arg12[%get3A_217, %get3A_218] {strides = array<i32>} : memref<125x80xi32, #tpu.memory_space<vmem>>, vector<16xi32>,
      %get3A_220 = arith.index_cast %add3A_132 : i32 to index
      %get3A_221 = arith.constant 64 : index
      %get3A_222 = tpu.vector_load %arg13[%get3A_220, %get3A_221] {strides = array<i32>} : memref<125x80xi32, #tpu.memory_space<vmem>>, vector<16xi32>,
      %gather3A_223 = tpu.vector_load_idx %arg10[%get3A_219] : memref<10000xf32, #tpu.memory_space<vmem>>[vector<16xi32>], vector<16xf32>,
      %gather3A_224 = tpu.vector_load_idx %arg10[%get3A_222] : memref<10000xf32, #tpu.memory_space<vmem>>[vector<16xi32>], vector<16xf32>,
      %gather3A_225 = tpu.vector_load_idx %arg11[%get3A_219] : memref<10000xf32, #tpu.memory_space<vmem>>[vector<16xi32>], vector<16xf32>,
      %sub3A_226 = arith.subf %gather3A_223, %gather3A_224 : vector<16xf32>
      %abs3A_227 = math.absf %sub3A_226 : vector<16xf32>
      %mul3A_228 = arith.mulf %gather3A_225, %abs3A_227 : vector<16xf32>
      %mul3A_229 = arith.constant -2.000000e-03 : f32
      %mul3A_230 = vector.broadcast %mul3A_229 : f32 to vector<16xf32>
      %mul3A_231 = arith.mulf %mul3A_228, %mul3A_230 : vector<16xf32>
      %exp3A_232 = math.exp %mul3A_231 : vector<16xf32>
      %swap3A_233 = arith.constant 64 : index
      %swap3A_234 = tpu.vector_load %arg14[%swap3A_233] {strides = array<i32>} : memref<96xf32, #tpu.memory_space<vmem>>, vector<16xf32>,
      tpu.vector_store %arg14[%swap3A_233], %exp3A_232 {strides = array<i32>} : memref<96xf32, #tpu.memory_space<vmem>>, vector<16xf32>,
      %scan3A_235 = arith.constant 0 : i32
      %scan3A_236 = arith.constant 80 : i32
      %scan3A_237 = arith.addi %scan3A_235, %scan3A_236 : i32
      %scan3A_238 = arith.constant 1 : i32
      scf.for %scan3A_257 = %scan3A_235 to %scan3A_237 step %scan3A_238  : i32 {
        %mul3A_258 = arith.constant 1 : i32
        %mul3A_259 = arith.muli %scan3A_257, %mul3A_258 : i32
        %add3A_260 = arith.constant 0 : i32
        %add3A_261 = arith.addi %add3A_260, %mul3A_259 : i32
        %get3A_262 = arith.index_cast %add3A_261 : i32 to index
        %get3A_263 = tpu.vector_load %arg14[%get3A_262] {strides = array<i32>} : memref<96xf32, #tpu.memory_space<vmem>>, vector<16xf32>,
        %slice3A = vector.extract_strided_slice %get3A_263 {offsets = [0], sizes = [1], strides = [1]} : vector<16xf32> to vector<1xf32>
        %squeeze3A = vector.extract %slice3A[0] : f32 from vector<1xf32>
        %broadcast_in_dim3A = vector.broadcast %squeeze3A : f32 to vector<16xf32>
        %get3A_264 = arith.index_cast %rem3A : i32 to index
        %get3A_265 = arith.index_cast %add3A_261 : i32 to index
        %get3A_266 = arith.constant 0 : index
        %get3A_267 = tpu.vector_load %arg15[%get3A_264, %get3A_265, %get3A_266] {strides = array<i32>} : memref<5x80x64xbf16, #tpu.memory_space<vmem>>, vector<32xbf16>,
        %unpack3A = tpu.unpack_subelements %get3A_267, 0 {pack_format = #tpu.pack_format<interleaved>} : vector<32xbf16> -> vector<16xf32>
        %unpack3A_268 = tpu.unpack_subelements %get3A_267, 1 {pack_format = #tpu.pack_format<interleaved>} : vector<32xbf16> -> vector<16xf32>
        %mul3A_269 = arith.mulf %unpack3A, %broadcast_in_dim3A : vector<16xf32>
        %swap3A_270 = arith.index_cast %rem3A : i32 to index
        %swap3A_271 = arith.index_cast %add3A_261 : i32 to index
        %swap3A_272 = arith.constant 0 : index
        %swap3A_273 = tpu.vector_load %arg16[%swap3A_270, %swap3A_271, %swap3A_272] {strides = array<i32>} : memref<5x80x64xf32, #tpu.memory_space<vmem>>, vector<16xf32>,
        tpu.vector_store %arg16[%swap3A_270, %swap3A_271, %swap3A_272], %mul3A_269 {strides = array<i32>} : memref<5x80x64xf32, #tpu.memory_space<vmem>>, vector<16xf32>,
        %mul3A_274 = arith.mulf %unpack3A_268, %broadcast_in_dim3A : vector<16xf32>
        %swap3A_275 = arith.index_cast %rem3A : i32 to index
        %swap3A_276 = arith.index_cast %add3A_261 : i32 to index
        %swap3A_277 = arith.constant 16 : index
        %swap3A_278 = tpu.vector_load %arg16[%swap3A_275, %swap3A_276, %swap3A_277] {strides = array<i32>} : memref<5x80x64xf32, #tpu.memory_space<vmem>>, vector<16xf32>,
        tpu.vector_store %arg16[%swap3A_275, %swap3A_276, %swap3A_277], %mul3A_274 {strides = array<i32>} : memref<5x80x64xf32, #tpu.memory_space<vmem>>, vector<16xf32>,
        %get3A_279 = arith.index_cast %rem3A : i32 to index
        %get3A_280 = arith.index_cast %add3A_261 : i32 to index
        %get3A_281 = arith.constant 32 : index
        %get3A_282 = tpu.vector_load %arg15[%get3A_279, %get3A_280, %get3A_281] {strides = array<i32>} : memref<5x80x64xbf16, #tpu.memory_space<vmem>>, vector<32xbf16>,
        %unpack3A_283 = tpu.unpack_subelements %get3A_282, 0 {pack_format = #tpu.pack_format<interleaved>} : vector<32xbf16> -> vector<16xf32>
        %unpack3A_284 = tpu.unpack_subelements %get3A_282, 1 {pack_format = #tpu.pack_format<interleaved>} : vector<32xbf16> -> vector<16xf32>
        %mul3A_285 = arith.mulf %unpack3A_283, %broadcast_in_dim3A : vector<16xf32>
        %swap3A_286 = arith.index_cast %rem3A : i32 to index
        %swap3A_287 = arith.index_cast %add3A_261 : i32 to index
        %swap3A_288 = arith.constant 32 : index
        %swap3A_289 = tpu.vector_load %arg16[%swap3A_286, %swap3A_287, %swap3A_288] {strides = array<i32>} : memref<5x80x64xf32, #tpu.memory_space<vmem>>, vector<16xf32>,
        tpu.vector_store %arg16[%swap3A_286, %swap3A_287, %swap3A_288], %mul3A_285 {strides = array<i32>} : memref<5x80x64xf32, #tpu.memory_space<vmem>>, vector<16xf32>,
        %mul3A_290 = arith.mulf %unpack3A_284, %broadcast_in_dim3A : vector<16xf32>
        %swap3A_291 = arith.index_cast %rem3A : i32 to index
        %swap3A_292 = arith.index_cast %add3A_261 : i32 to index
        %swap3A_293 = arith.constant 48 : index
        %swap3A_294 = tpu.vector_load %arg16[%swap3A_291, %swap3A_292, %swap3A_293] {strides = array<i32>} : memref<5x80x64xf32, #tpu.memory_space<vmem>>, vector<16xf32>,
        tpu.vector_store %arg16[%swap3A_291, %swap3A_292, %swap3A_293], %mul3A_290 {strides = array<i32>} : memref<5x80x64xf32, #tpu.memory_space<vmem>>, vector<16xf32>,
      }
      %scan3A_239 = arith.constant 80 : i32
      %dma_start3A = arith.constant 0 : i32
      %dma_start3A_240 = arith.constant 0 : i32
      %dma_start3A_241 = tpu.memref_slice %arg16[%rem3A, %dma_start3A, %dma_start3A_240] : memref<5x80x64xf32, #tpu.memory_space<vmem>> -> memref<1x80x64xf32, #tpu.memory_space<vmem>>
      %dma_start3A_242 = tpu.memref_squeeze %dma_start3A_241 : memref<1x80x64xf32, #tpu.memory_space<vmem>> -> memref<80x64xf32, #tpu.memory_space<vmem>>
      %dma_start3A_243 = arith.constant 0 : i32
      %dma_start3A_244 = tpu.memref_slice %arg13[%add3A_132, %dma_start3A_243] : memref<125x80xi32, #tpu.memory_space<vmem>> -> memref<1x80xi32, #tpu.memory_space<vmem>>
      %dma_start3A_245 = tpu.memref_squeeze %dma_start3A_244 : memref<1x80xi32, #tpu.memory_space<vmem>> -> memref<80xi32, #tpu.memory_space<vmem>>
      %dma_start3A_246 = arith.constant 0 : i32
      %dma_start3A_247 = arith.constant 0 : i32
      %dma_start3A_248 = tpu.memref_slice %arg18[%dma_start3A_246, %dma_start3A_247] : memref<10000x64xf32, #tpu.memory_space<vmem_shared>> -> memref<10000x64xf32, #tpu.memory_space<vmem_shared>>
      %dma_start3A_249 = tpu.memref_slice %arg20[%rem3A] : memref<5x!tpu.dma_semaphore, #tpu.memory_space<semaphore_mem>> -> memref<1x!tpu.dma_semaphore, #tpu.memory_space<semaphore_mem>>
      %dma_start3A_250 = tpu.memref_squeeze %dma_start3A_249 : memref<1x!tpu.dma_semaphore, #tpu.memory_space<semaphore_mem>> -> memref<!tpu.dma_semaphore, #tpu.memory_space<semaphore_mem>>
      tpu.enqueue_indirect_dma source(%dma_start3A_242 : memref<80x64xf32, #tpu.memory_space<vmem>>) target(%dma_start3A_248 : memref<10000x64xf32, #tpu.memory_space<vmem_shared>>) offsets(%dma_start3A_245 : memref<80xi32, #tpu.memory_space<vmem>>) semaphore(%dma_start3A_250 : memref<!tpu.dma_semaphore, #tpu.memory_space<semaphore_mem>>) {add = true}
      %add3A_251 = arith.constant 3 : i32
      %add3A_252 = arith.addi %add3A_132, %add3A_251 : i32
      %lt3A = arith.constant 125 : i32
      %lt3A_253 = arith.cmpi slt, %add3A_252, %lt3A : i32
      %convert_element_type3A_254 = arith.extui %lt3A_253 : i1 to i32
      %cond3A_255 = arith.constant 0 : i32
      %cond3A_256 = arith.cmpi ne, %convert_element_type3A_254, %cond3A_255 : i32
      scf.if %cond3A_256 {
        %rem3A_257 = arith.remsi %add3A_252, %scan3A_94 : i32
        %dma_start3A_258 = arith.constant 0 : i32
        %dma_start3A_259 = arith.constant 0 : i32
        %dma_start3A_260 = tpu.memref_slice %arg15[%rem3A_257, %dma_start3A_258, %dma_start3A_259] : memref<5x80x64xbf16, #tpu.memory_space<vmem>> -> memref<1x80x64xbf16, #tpu.memory_space<vmem>>
        %dma_start3A_261 = tpu.memref_squeeze %dma_start3A_260 : memref<1x80x64xbf16, #tpu.memory_space<vmem>> -> memref<80x64xbf16, #tpu.memory_space<vmem>>
        %dma_start3A_262 = arith.constant 0 : i32
        %dma_start3A_263 = tpu.memref_slice %arg12[%add3A_252, %dma_start3A_262] : memref<125x80xi32, #tpu.memory_space<vmem>> -> memref<1x80xi32, #tpu.memory_space<vmem>>
        %dma_start3A_264 = tpu.memref_squeeze %dma_start3A_263 : memref<1x80xi32, #tpu.memory_space<vmem>> -> memref<80xi32, #tpu.memory_space<vmem>>
        %dma_start3A_265 = arith.constant 0 : i32
        %dma_start3A_266 = arith.constant 0 : i32
        %dma_start3A_267 = tpu.memref_slice %arg7[%dma_start3A_265, %dma_start3A_266] : memref<10000x64xbf16, #tpu.memory_space<hbm>> -> memref<10000x64xbf16, #tpu.memory_space<hbm>>
        %dma_start3A_268 = tpu.memref_slice %arg19[%rem3A_257] : memref<5x!tpu.dma_semaphore, #tpu.memory_space<semaphore_mem>> -> memref<1x!tpu.dma_semaphore, #tpu.memory_space<semaphore_mem>>
        %dma_start3A_269 = tpu.memref_squeeze %dma_start3A_268 : memref<1x!tpu.dma_semaphore, #tpu.memory_space<semaphore_mem>> -> memref<!tpu.dma_semaphore, #tpu.memory_space<semaphore_mem>>
        tpu.enqueue_indirect_dma source(%dma_start3A_267 : memref<10000x64xbf16, #tpu.memory_space<hbm>>) target(%dma_start3A_261 : memref<80x64xbf16, #tpu.memory_space<vmem>>) offsets(%dma_start3A_264 : memref<80xi32, #tpu.memory_space<vmem>>) semaphore(%dma_start3A_269 : memref<!tpu.dma_semaphore, #tpu.memory_space<semaphore_mem>>)
      } else {
      }
    }
    %scan3A_99 = arith.constant 125 : i32
    %scan3A_100 = arith.constant 5 : i32
    %scan3A_101 = arith.constant 0 : i32
    %scan3A_102 = arith.constant 5 : i32
    %scan3A_103 = arith.addi %scan3A_101, %scan3A_102 : i32
    %scan3A_104 = arith.constant 1 : i32
    scf.for %scan3A_128 = %scan3A_101 to %scan3A_103 step %scan3A_104  : i32 {
      %mul3A_129 = arith.constant 1 : i32
      %mul3A_130 = arith.muli %scan3A_128, %mul3A_129 : i32
      %add3A_131 = arith.constant 120 : i32
      %add3A_132 = arith.addi %add3A_131, %mul3A_130 : i32
      %rem3A = arith.remsi %add3A_132, %scan3A_100 : i32
      %dma_wait3A = arith.constant 0 : i32
      %dma_wait3A_133 = arith.constant 0 : i32
      %dma_wait3A_134 = tpu.memref_slice %arg16[%rem3A, %dma_wait3A, %dma_wait3A_133] : memref<5x80x64xf32, #tpu.memory_space<vmem>> -> memref<1x80x64xf32, #tpu.memory_space<vmem>>
      %dma_wait3A_135 = tpu.memref_squeeze %dma_wait3A_134 : memref<1x80x64xf32, #tpu.memory_space<vmem>> -> memref<80x64xf32, #tpu.memory_space<vmem>>
      %dma_wait3A_136 = arith.constant 0 : i32
      %dma_wait3A_137 = arith.constant 0 : i32
      %dma_wait3A_138 = tpu.memref_slice %arg18[%dma_wait3A_136, %dma_wait3A_137] : memref<10000x64xf32, #tpu.memory_space<vmem_shared>> -> memref<80x64xf32, #tpu.memory_space<vmem_shared>>
      %dma_wait3A_139 = tpu.memref_slice %arg20[%rem3A] : memref<5x!tpu.dma_semaphore, #tpu.memory_space<semaphore_mem>> -> memref<1x!tpu.dma_semaphore, #tpu.memory_space<semaphore_mem>>
      %dma_wait3A_140 = tpu.memref_squeeze %dma_wait3A_139 : memref<1x!tpu.dma_semaphore, #tpu.memory_space<semaphore_mem>> -> memref<!tpu.dma_semaphore, #tpu.memory_space<semaphore_mem>>
      %dma_wait3A_141 = arith.constant 0 : i32
      %dma_wait3A_142 = arith.constant 0 : i32
      %dma_wait3A_143 = tpu.memref_slice %arg18[%dma_wait3A_141, %dma_wait3A_142] : memref<10000x64xf32, #tpu.memory_space<vmem_shared>> -> memref<80x64xf32, #tpu.memory_space<vmem_shared>>
      %dma_wait3A_144 = arith.constant 0 : i32
      %dma_wait3A_145 = arith.constant 0 : i32
      %dma_wait3A_146 = tpu.memref_slice %arg16[%rem3A, %dma_wait3A_144, %dma_wait3A_145] : memref<5x80x64xf32, #tpu.memory_space<vmem>> -> memref<1x80x64xf32, #tpu.memory_space<vmem>>
      %dma_wait3A_147 = tpu.memref_squeeze %dma_wait3A_146 : memref<1x80x64xf32, #tpu.memory_space<vmem>> -> memref<80x64xf32, #tpu.memory_space<vmem>>
      tpu.wait_dma2 semaphore(%dma_wait3A_140 : memref<!tpu.dma_semaphore, #tpu.memory_space<semaphore_mem>>) src(%dma_wait3A_147 : memref<80x64xf32, #tpu.memory_space<vmem>>) dst(%dma_wait3A_143 : memref<80x64xf32, #tpu.memory_space<vmem_shared>>)
    }
    %scan3A_105 = arith.constant 5 : i32
    %barrier3A_106 = arith.constant 0 : index
    tpu.barrier barrier_id(%barrier3A_106)
    %add3A_107 = arith.constant 2 : i32
    %add3A_108 = arith.addi %add3A_107, %arg0 : i32
    %sub3A_109 = arith.constant 125 : i32
    %sub3A_110 = arith.subi %sub3A_109, %arg1 : i32
    %sub3A_111 = arith.constant 16 : i32
    %sub3A_112 = arith.constant 1 : i32
    %sub3A_113 = arith.subi %sub3A_111, %sub3A_112 : i32
    %add3A_114 = arith.addi %sub3A_110, %sub3A_113 : i32
    %div3A_115 = arith.constant 16 : i32
    %div3A_116 = arith.divsi %add3A_114, %div3A_115 : i32
    %while3A_117 = arith.constant 16 : i32
    %while3A_118 = arith.constant 0 : i32
    %while3A_119 = arith.subi %div3A_116, %while3A_118 : i32
    %while3A_120 = arith.addi %while3A_118, %while3A_119 : i32
    %while3A_121 = arith.constant 1 : i32
    %while3A_122 = arith.divsi %while3A_119, %while3A_121 : i32
    %while3A_123 = arith.muli %while3A_122, %while3A_121 : i32
    %while3A_124 = arith.addi %while3A_118, %while3A_123 : i32
    %while3A_125 = arith.constant 1 : i32
    scf.for %while3A_128 = %while3A_118 to %while3A_124 step %while3A_125  : i32 {
      %mul3A_129 = arith.muli %while3A_128, %while3A_117 : i32
      %add3A_130 = arith.addi %arg1, %mul3A_129 : i32
      %mul3A_131 = arith.constant 80 : i32
      %mul3A_132 = arith.muli %add3A_130, %mul3A_131 : i32
      %mul3A_133 = arith.constant 10000 : i32
      %mul3A_134 = arith.muli %add3A_108, %mul3A_133 : i32
      %mul3A_135 = arith.constant 80 : i32
      %mul3A_136 = arith.muli %add3A_130, %mul3A_135 : i32
      %add3A_137 = arith.addi %mul3A_134, %mul3A_136 : i32
      "tpu.region"() ({
        %run_scoped3A = tpu.sem_alloc : memref<!tpu.dma_semaphore, #tpu.memory_space<semaphore_mem>>
        %dma_start3A = arith.constant 0 : i32
        %dma_start3A_138 = tpu.memref_slice %arg8[%add3A_137, %dma_start3A] : memref<40000x64xf32, #tpu.memory_space<hbm>> -> memref<80x64xf32, #tpu.memory_space<hbm>>
        %dma_start3A_139 = arith.constant 0 : i32
        %dma_start3A_140 = tpu.memref_slice %arg18[%mul3A_132, %dma_start3A_139] : memref<10000x64xf32, #tpu.memory_space<vmem_shared>> -> memref<80x64xf32, #tpu.memory_space<vmem_shared>>
        tpu.enqueue_dma source(%dma_start3A_140 : memref<80x64xf32, #tpu.memory_space<vmem_shared>>) target(%dma_start3A_138 : memref<80x64xf32, #tpu.memory_space<hbm>>) target_semaphore(%run_scoped3A : memref<!tpu.dma_semaphore, #tpu.memory_space<semaphore_mem>>)
        %dma_wait3A = arith.constant 0 : i32
        %dma_wait3A_141 = tpu.memref_slice %arg8[%add3A_137, %dma_wait3A] : memref<40000x64xf32, #tpu.memory_space<hbm>> -> memref<80x64xf32, #tpu.memory_space<hbm>>
        %dma_wait3A_142 = arith.constant 0 : i32
        %dma_wait3A_143 = tpu.memref_slice %arg18[%mul3A_132, %dma_wait3A_142] : memref<10000x64xf32, #tpu.memory_space<vmem_shared>> -> memref<80x64xf32, #tpu.memory_space<vmem_shared>>
        tpu.wait_dma2 semaphore(%run_scoped3A : memref<!tpu.dma_semaphore, #tpu.memory_space<semaphore_mem>>) src(%dma_wait3A_143 : memref<80x64xf32, #tpu.memory_space<vmem_shared>>) dst(%dma_wait3A_141 : memref<80x64xf32, #tpu.memory_space<hbm>>)
        tpu.yield
      }) : () -> ()
    }
    %while3A_126 = arith.constant 1 : i32
    scf.for %while3A_128 = %while3A_124 to %while3A_120 step %while3A_126  : i32 {
      %mul3A_129 = arith.muli %while3A_128, %while3A_117 : i32
      %add3A_130 = arith.addi %arg1, %mul3A_129 : i32
      %mul3A_131 = arith.constant 80 : i32
      %mul3A_132 = arith.muli %add3A_130, %mul3A_131 : i32
      %mul3A_133 = arith.constant 10000 : i32
      %mul3A_134 = arith.muli %add3A_108, %mul3A_133 : i32
      %mul3A_135 = arith.constant 80 : i32
      %mul3A_136 = arith.muli %add3A_130, %mul3A_135 : i32
      %add3A_137 = arith.addi %mul3A_134, %mul3A_136 : i32
      "tpu.region"() ({
        %run_scoped3A = tpu.sem_alloc : memref<!tpu.dma_semaphore, #tpu.memory_space<semaphore_mem>>
        %dma_start3A = arith.constant 0 : i32
        %dma_start3A_138 = tpu.memref_slice %arg8[%add3A_137, %dma_start3A] : memref<40000x64xf32, #tpu.memory_space<hbm>> -> memref<80x64xf32, #tpu.memory_space<hbm>>
        %dma_start3A_139 = arith.constant 0 : i32
        %dma_start3A_140 = tpu.memref_slice %arg18[%mul3A_132, %dma_start3A_139] : memref<10000x64xf32, #tpu.memory_space<vmem_shared>> -> memref<80x64xf32, #tpu.memory_space<vmem_shared>>
        tpu.enqueue_dma source(%dma_start3A_140 : memref<80x64xf32, #tpu.memory_space<vmem_shared>>) target(%dma_start3A_138 : memref<80x64xf32, #tpu.memory_space<hbm>>) target_semaphore(%run_scoped3A : memref<!tpu.dma_semaphore, #tpu.memory_space<semaphore_mem>>)
        %dma_wait3A = arith.constant 0 : i32
        %dma_wait3A_141 = tpu.memref_slice %arg8[%add3A_137, %dma_wait3A] : memref<40000x64xf32, #tpu.memory_space<hbm>> -> memref<80x64xf32, #tpu.memory_space<hbm>>
        %dma_wait3A_142 = arith.constant 0 : i32
        %dma_wait3A_143 = tpu.memref_slice %arg18[%mul3A_132, %dma_wait3A_142] : memref<10000x64xf32, #tpu.memory_space<vmem_shared>> -> memref<80x64xf32, #tpu.memory_space<vmem_shared>>
        tpu.wait_dma2 semaphore(%run_scoped3A : memref<!tpu.dma_semaphore, #tpu.memory_space<semaphore_mem>>) src(%dma_wait3A_143 : memref<80x64xf32, #tpu.memory_space<vmem_shared>>) dst(%dma_wait3A_141 : memref<80x64xf32, #tpu.memory_space<hbm>>)
        tpu.yield
      }) : () -> ()
    }
    %barrier3A_127 = arith.constant 0 : index
    tpu.barrier barrier_id(%barrier3A_127)
    return
  }
}

module attributes {stable_mosaic.version = 14 : i64} {
  func.func @body(%arg0: i32, %arg1: memref<1000x128xf32, #tpu.memory_space<vmem>>, %arg2: memref<128x128xf32, #tpu.memory_space<vmem>>, %arg3: memref<1x128xf32, #tpu.memory_space<vmem>>, %arg4: memref<1000x64xf32, #tpu.memory_space<vmem>>, %arg5: memref<1000x64xf32, #tpu.memory_space<vmem>>, %arg6: memref<1000x64xbf16, #tpu.memory_space<vmem>>, %arg7: memref<1000x64xbf16, #tpu.memory_space<vmem>>, %arg8: memref<1000x1xf32, #tpu.memory_space<vmem>>) attributes {dimension_semantics = [#tpu.dimension_semantics<arbitrary>], iteration_bounds = array<i64: 10>, scalar_prefetch = 0 : i64, scratch_operands = 0 : i64, tpu.core_type = #tpu.core_type<tc>, window_params = [{transform_indices = @transform_0, window_bounds = array<i64: 1000, 128>}, {pipeline_mode = #tpu.pipeline_mode<synchronous>, transform_indices = @transform_1, window_bounds = array<i64: 128, 128>}, {pipeline_mode = #tpu.pipeline_mode<synchronous>, transform_indices = @transform_2, window_bounds = array<i64: 1, 128>}, {transform_indices = @transform_3, window_bounds = array<i64: 1000, 64>}, {transform_indices = @transform_4, window_bounds = array<i64: 1000, 64>}, {transform_indices = @transform_5, window_bounds = array<i64: 1000, 64>}, {transform_indices = @transform_6, window_bounds = array<i64: 1000, 64>}, {transform_indices = @transform_7, window_bounds = array<i64: 1000, 1>}]} {
    %get3A = arith.constant 0 : index
    %get3A_0 = arith.constant 0 : index
    %get3A_1 = vector.load %arg1[%get3A, %get3A_0] : memref<1000x128xf32, #tpu.memory_space<vmem>>, vector<1000x128xf32>
    %get3A_2 = arith.constant 0 : index
    %get3A_3 = arith.constant 0 : index
    %get3A_4 = vector.load %arg2[%get3A_2, %get3A_3] : memref<128x128xf32, #tpu.memory_space<vmem>>, vector<128x128xf32>
    %dot_general3A = arith.constant dense<0.000000e+00> : vector<1000x128xf32>
    %dot_general3A_5 = tpu.matmul %get3A_1, %get3A_4, %dot_general3A {dimension_numbers = #tpu.dot_dimension_numbers<[1], [1], [0], [0], [0, 0, 1, 0], [], []>, transpose_lhs_hint = false} : vector<1000x128xf32>, vector<128x128xf32>, vector<1000x128xf32> -> vector<1000x128xf32>
    %slice3A = vector.extract_strided_slice %dot_general3A_5 {offsets = [0, 0], sizes = [1000, 64], strides = [1, 1]} : vector<1000x128xf32> to vector<1000x64xf32>
    %swap3A = arith.constant 0 : index
    %swap3A_6 = arith.constant 0 : index
    %swap3A_7 = vector.load %arg4[%swap3A, %swap3A_6] : memref<1000x64xf32, #tpu.memory_space<vmem>>, vector<1000x64xf32>
    tpu.vector_store %arg4[%swap3A, %swap3A_6], %slice3A {strides = array<i32>} : memref<1000x64xf32, #tpu.memory_space<vmem>>, vector<1000x64xf32>,
    %slice3A_8 = vector.extract_strided_slice %dot_general3A_5 {offsets = [0, 64], sizes = [1000, 64], strides = [1, 1]} : vector<1000x128xf32> to vector<1000x64xf32>
    %swap3A_9 = arith.constant 0 : index
    %swap3A_10 = arith.constant 0 : index
    %swap3A_11 = vector.load %arg5[%swap3A_9, %swap3A_10] : memref<1000x64xf32, #tpu.memory_space<vmem>>, vector<1000x64xf32>
    tpu.vector_store %arg5[%swap3A_9, %swap3A_10], %slice3A_8 {strides = array<i32>} : memref<1000x64xf32, #tpu.memory_space<vmem>>, vector<1000x64xf32>,
    %slice3A_12 = vector.extract_strided_slice %dot_general3A_5 {offsets = [0, 0], sizes = [1000, 64], strides = [1, 1]} : vector<1000x128xf32> to vector<1000x64xf32>
    %slice3A_13 = vector.extract_strided_slice %slice3A_12 {offsets = [0, 0], sizes = [1000, 16], strides = [1, 1]} : vector<1000x64xf32> to vector<1000x16xf32>
    %slice3A_14 = vector.extract_strided_slice %slice3A_12 {offsets = [0, 16], sizes = [1000, 16], strides = [1, 1]} : vector<1000x64xf32> to vector<1000x16xf32>
    %broadcast_in_dim3A = vector.shape_cast %slice3A_13 : vector<1000x16xf32> to vector<1000x16x1xf32>
    %broadcast_in_dim3A_15 = vector.shape_cast %slice3A_14 : vector<1000x16xf32> to vector<1000x16x1xf32>
    %concatenate3A = tpu.concatenate %broadcast_in_dim3A, %broadcast_in_dim3A_15 in 2 : vector<1000x16x1xf32>, vector<1000x16x1xf32> -> vector<1000x16x2xf32>
    %reshape3A = vector.shape_cast %concatenate3A : vector<1000x16x2xf32> to vector<1000x32xf32>
    %slice3A_16 = vector.extract_strided_slice %slice3A_12 {offsets = [0, 32], sizes = [1000, 16], strides = [1, 1]} : vector<1000x64xf32> to vector<1000x16xf32>
    %slice3A_17 = vector.extract_strided_slice %slice3A_12 {offsets = [0, 48], sizes = [1000, 16], strides = [1, 1]} : vector<1000x64xf32> to vector<1000x16xf32>
    %broadcast_in_dim3A_18 = vector.shape_cast %slice3A_16 : vector<1000x16xf32> to vector<1000x16x1xf32>
    %broadcast_in_dim3A_19 = vector.shape_cast %slice3A_17 : vector<1000x16xf32> to vector<1000x16x1xf32>
    %concatenate3A_20 = tpu.concatenate %broadcast_in_dim3A_18, %broadcast_in_dim3A_19 in 2 : vector<1000x16x1xf32>, vector<1000x16x1xf32> -> vector<1000x16x2xf32>
    %reshape3A_21 = vector.shape_cast %concatenate3A_20 : vector<1000x16x2xf32> to vector<1000x32xf32>
    %concatenate3A_22 = tpu.concatenate %reshape3A, %reshape3A_21 in 1 : vector<1000x32xf32>, vector<1000x32xf32> -> vector<1000x64xf32>
    %convert_element_type3A = arith.truncf %concatenate3A_22 : vector<1000x64xf32> to vector<1000x64xbf16>
    %swap3A_23 = arith.constant 0 : index
    %swap3A_24 = arith.constant 0 : index
    %swap3A_25 = vector.load %arg6[%swap3A_23, %swap3A_24] : memref<1000x64xbf16, #tpu.memory_space<vmem>>, vector<1000x64xbf16>
    tpu.vector_store %arg6[%swap3A_23, %swap3A_24], %convert_element_type3A {strides = array<i32>} : memref<1000x64xbf16, #tpu.memory_space<vmem>>, vector<1000x64xbf16>,
    %slice3A_26 = vector.extract_strided_slice %dot_general3A_5 {offsets = [0, 64], sizes = [1000, 64], strides = [1, 1]} : vector<1000x128xf32> to vector<1000x64xf32>
    %slice3A_27 = vector.extract_strided_slice %slice3A_26 {offsets = [0, 0], sizes = [1000, 16], strides = [1, 1]} : vector<1000x64xf32> to vector<1000x16xf32>
    %slice3A_28 = vector.extract_strided_slice %slice3A_26 {offsets = [0, 16], sizes = [1000, 16], strides = [1, 1]} : vector<1000x64xf32> to vector<1000x16xf32>
    %broadcast_in_dim3A_29 = vector.shape_cast %slice3A_27 : vector<1000x16xf32> to vector<1000x16x1xf32>
    %broadcast_in_dim3A_30 = vector.shape_cast %slice3A_28 : vector<1000x16xf32> to vector<1000x16x1xf32>
    %concatenate3A_31 = tpu.concatenate %broadcast_in_dim3A_29, %broadcast_in_dim3A_30 in 2 : vector<1000x16x1xf32>, vector<1000x16x1xf32> -> vector<1000x16x2xf32>
    %reshape3A_32 = vector.shape_cast %concatenate3A_31 : vector<1000x16x2xf32> to vector<1000x32xf32>
    %slice3A_33 = vector.extract_strided_slice %slice3A_26 {offsets = [0, 32], sizes = [1000, 16], strides = [1, 1]} : vector<1000x64xf32> to vector<1000x16xf32>
    %slice3A_34 = vector.extract_strided_slice %slice3A_26 {offsets = [0, 48], sizes = [1000, 16], strides = [1, 1]} : vector<1000x64xf32> to vector<1000x16xf32>
    %broadcast_in_dim3A_35 = vector.shape_cast %slice3A_33 : vector<1000x16xf32> to vector<1000x16x1xf32>
    %broadcast_in_dim3A_36 = vector.shape_cast %slice3A_34 : vector<1000x16xf32> to vector<1000x16x1xf32>
    %concatenate3A_37 = tpu.concatenate %broadcast_in_dim3A_35, %broadcast_in_dim3A_36 in 2 : vector<1000x16x1xf32>, vector<1000x16x1xf32> -> vector<1000x16x2xf32>
    %reshape3A_38 = vector.shape_cast %concatenate3A_37 : vector<1000x16x2xf32> to vector<1000x32xf32>
    %concatenate3A_39 = tpu.concatenate %reshape3A_32, %reshape3A_38 in 1 : vector<1000x32xf32>, vector<1000x32xf32> -> vector<1000x64xf32>
    %convert_element_type3A_40 = arith.truncf %concatenate3A_39 : vector<1000x64xf32> to vector<1000x64xbf16>
    %swap3A_41 = arith.constant 0 : index
    %swap3A_42 = arith.constant 0 : index
    %swap3A_43 = vector.load %arg7[%swap3A_41, %swap3A_42] : memref<1000x64xbf16, #tpu.memory_space<vmem>>, vector<1000x64xbf16>
    tpu.vector_store %arg7[%swap3A_41, %swap3A_42], %convert_element_type3A_40 {strides = array<i32>} : memref<1000x64xbf16, #tpu.memory_space<vmem>>, vector<1000x64xbf16>,
    %get3A_44 = arith.constant 0 : index
    %get3A_45 = arith.constant 0 : index
    %get3A_46 = vector.load %arg3[%get3A_44, %get3A_45] : memref<1x128xf32, #tpu.memory_space<vmem>>, vector<1x128xf32>
    %dot_general3A_47 = arith.constant dense<0.000000e+00> : vector<1000x1xf32>
    %dot_general3A_48 = tpu.matmul %dot_general3A_5, %get3A_46, %dot_general3A_47 {dimension_numbers = #tpu.dot_dimension_numbers<[1], [1], [0], [0], [0, 0, 1, 0], [], []>, transpose_lhs_hint = false} : vector<1000x128xf32>, vector<1x128xf32>, vector<1000x1xf32> -> vector<1000x1xf32>
    %swap3A_49 = arith.constant 0 : index
    %swap3A_50 = arith.constant 0 : index
    %swap3A_51 = vector.load %arg8[%swap3A_49, %swap3A_50] : memref<1000x1xf32, #tpu.memory_space<vmem>>, vector<1000x1xf32>
    tpu.vector_store %arg8[%swap3A_49, %swap3A_50], %dot_general3A_48 {strides = array<i32>} : memref<1000x1xf32, #tpu.memory_space<vmem>>, vector<1000x1xf32>,
    return
  }
  func.func @transform_0(%arg0: i32) -> (i32, i32) {
    %c0_i32 = arith.constant 0 : i32
    %c0_i32_0 = arith.constant 0 : i32
    return %arg0, %c0_i32 : i32, i32
  }
  func.func @transform_1(%arg0: i32) -> (i32, i32) {
    %c0_i32 = arith.constant 0 : i32
    %c0_i32_0 = arith.constant 0 : i32
    %c0_i32_1 = arith.constant 0 : i32
    return %c0_i32, %c0_i32_0 : i32, i32
  }
  func.func @transform_2(%arg0: i32) -> (i32, i32) {
    %c0_i32 = arith.constant 0 : i32
    %c0_i32_0 = arith.constant 0 : i32
    %c0_i32_1 = arith.constant 0 : i32
    return %c0_i32, %c0_i32_0 : i32, i32
  }
  func.func @transform_3(%arg0: i32) -> (i32, i32) {
    %c0_i32 = arith.constant 0 : i32
    %c0_i32_0 = arith.constant 0 : i32
    return %arg0, %c0_i32 : i32, i32
  }
  func.func @transform_4(%arg0: i32) -> (i32, i32) {
    %c0_i32 = arith.constant 0 : i32
    %c0_i32_0 = arith.constant 0 : i32
    return %arg0, %c0_i32 : i32, i32
  }
  func.func @transform_5(%arg0: i32) -> (i32, i32) {
    %c0_i32 = arith.constant 0 : i32
    %c0_i32_0 = arith.constant 0 : i32
    return %arg0, %c0_i32 : i32, i32
  }
  func.func @transform_6(%arg0: i32) -> (i32, i32) {
    %c0_i32 = arith.constant 0 : i32
    %c0_i32_0 = arith.constant 0 : i32
    return %arg0, %c0_i32 : i32, i32
  }
  func.func @transform_7(%arg0: i32) -> (i32, i32) {
    %c0_i32 = arith.constant 0 : i32
    %c0_i32_0 = arith.constant 0 : i32
    return %arg0, %c0_i32 : i32, i32
  }
}

module attributes {stable_mosaic.version = 14 : i64} {
  func.func @body(%arg0: i32, %arg1: memref<1000x64xf32, #tpu.memory_space<vmem>>, %arg2: memref<1000x64xf32, #tpu.memory_space<vmem>>, %arg3: memref<1000x64xf32, #tpu.memory_space<vmem>>, %arg4: memref<1000x64xf32, #tpu.memory_space<vmem>>, %arg5: memref<1000x64xf32, #tpu.memory_space<vmem>>, %arg6: memref<1000x64xf32, #tpu.memory_space<vmem>>, %arg7: memref<1x32x1000xf32, #tpu.memory_space<vmem>>, %arg8: memref<1000x128xf32, #tpu.memory_space<vmem>>) attributes {dimension_semantics = [#tpu.dimension_semantics<arbitrary>], iteration_bounds = array<i64: 10>, scalar_prefetch = 0 : i64, scratch_operands = 0 : i64, tpu.core_type = #tpu.core_type<tc>, window_params = [{transform_indices = @transform_0, window_bounds = array<i64: 1000, 64>}, {transform_indices = @transform_1, window_bounds = array<i64: 1000, 64>}, {transform_indices = @transform_2, window_bounds = array<i64: 1000, 64>}, {transform_indices = @transform_3, window_bounds = array<i64: 1000, 64>}, {transform_indices = @transform_4, window_bounds = array<i64: 1000, 64>}, {transform_indices = @transform_5, window_bounds = array<i64: 1000, 64>}, {transform_indices = @transform_6, window_bounds = array<i64: 1, 32, 1000>}, {transform_indices = @transform_7, window_bounds = array<i64: 1000, 128>}]} {
    %get3A = arith.constant 0 : index
    %get3A_0 = arith.constant 0 : index
    %get3A_1 = vector.load %arg3[%get3A, %get3A_0] : memref<1000x64xf32, #tpu.memory_space<vmem>>, vector<1000x64xf32>
    %get3A_2 = arith.constant 0 : index
    %get3A_3 = arith.constant 0 : index
    %get3A_4 = vector.load %arg4[%get3A_2, %get3A_3] : memref<1000x64xf32, #tpu.memory_space<vmem>>, vector<1000x64xf32>
    %add3A = arith.addf %get3A_1, %get3A_4 : vector<1000x64xf32>
    %get3A_5 = arith.constant 0 : index
    %get3A_6 = arith.constant 0 : index
    %get3A_7 = vector.load %arg5[%get3A_5, %get3A_6] : memref<1000x64xf32, #tpu.memory_space<vmem>>, vector<1000x64xf32>
    %get3A_8 = arith.constant 0 : index
    %get3A_9 = arith.constant 0 : index
    %get3A_10 = vector.load %arg6[%get3A_8, %get3A_9] : memref<1000x64xf32, #tpu.memory_space<vmem>>, vector<1000x64xf32>
    %add3A_11 = arith.addf %get3A_7, %get3A_10 : vector<1000x64xf32>
    %broadcast_in_dim3A = arith.constant 1.000000e+00 : f32
    %broadcast_in_dim3A_12 = vector.broadcast %broadcast_in_dim3A : f32 to vector<32x1xf32>
    %get3A_13 = arith.constant 0 : index
    %get3A_14 = arith.constant 0 : index
    %get3A_15 = arith.constant 0 : index
    %get3A_16 = vector.load %arg7[%get3A_13, %get3A_14, %get3A_15] : memref<1x32x1000xf32, #tpu.memory_space<vmem>>, vector<1x32x1000xf32>
    %get3A_17 = vector.shape_cast %get3A_16 : vector<1x32x1000xf32> to vector<32x1000xf32>
    %dot_general3A = arith.constant dense<0.000000e+00> : vector<1000x1xf32>
    %dot_general3A_18 = tpu.matmul %get3A_17, %broadcast_in_dim3A_12, %dot_general3A {dimension_numbers = #tpu.dot_dimension_numbers<[0], [0], [1], [1], [0, 1, 1, 1], [], []>, transpose_lhs_hint = false} : vector<32x1000xf32>, vector<32x1xf32>, vector<1000x1xf32> -> vector<1000x1xf32>
    %eq3A = arith.constant 0.000000e+00 : f32
    %eq3A_19 = vector.broadcast %eq3A : f32 to vector<1000x1xf32>
    %eq3A_20 = arith.cmpf oeq, %dot_general3A_18, %eq3A_19 : vector<1000x1xf32>
    %jit3A = arith.constant 1.000000e+00 : f32
    %broadcast_in_dim3A_21 = vector.broadcast %jit3A : f32 to vector<1000x1xf32>
    %select_n3A = arith.select %eq3A_20, %broadcast_in_dim3A_21, %dot_general3A_18 : vector<1000x1xi1>, vector<1000x1xf32>
    %get3A_22 = arith.constant 0 : index
    %get3A_23 = arith.constant 0 : index
    %get3A_24 = vector.load %arg1[%get3A_22, %get3A_23] : memref<1000x64xf32, #tpu.memory_space<vmem>>, vector<1000x64xf32>
    %div3A = vector.broadcast %select_n3A : vector<1000x1xf32> to vector<1000x64xf32>
    %div3A_25 = arith.divf %add3A, %div3A : vector<1000x64xf32>
    %add3A_26 = arith.addf %get3A_24, %div3A_25 : vector<1000x64xf32>
    %swap3A = arith.constant 0 : index
    %swap3A_27 = arith.constant 0 : index
    %swap3A_28 = vector.load %arg8[%swap3A, %swap3A_27] : memref<1000x128xf32, #tpu.memory_space<vmem>>, vector<1000x64xf32>
    tpu.vector_store %arg8[%swap3A, %swap3A_27], %add3A_26 {strides = array<i32>} : memref<1000x128xf32, #tpu.memory_space<vmem>>, vector<1000x64xf32>,
    %get3A_29 = arith.constant 0 : index
    %get3A_30 = arith.constant 0 : index
    %get3A_31 = vector.load %arg2[%get3A_29, %get3A_30] : memref<1000x64xf32, #tpu.memory_space<vmem>>, vector<1000x64xf32>
    %div3A_32 = vector.broadcast %select_n3A : vector<1000x1xf32> to vector<1000x64xf32>
    %div3A_33 = arith.divf %add3A_11, %div3A_32 : vector<1000x64xf32>
    %add3A_34 = arith.addf %get3A_31, %div3A_33 : vector<1000x64xf32>
    %swap3A_35 = arith.constant 0 : index
    %swap3A_36 = arith.constant 64 : index
    %swap3A_37 = vector.load %arg8[%swap3A_35, %swap3A_36] : memref<1000x128xf32, #tpu.memory_space<vmem>>, vector<1000x64xf32>
    tpu.vector_store %arg8[%swap3A_35, %swap3A_36], %add3A_34 {strides = array<i32>} : memref<1000x128xf32, #tpu.memory_space<vmem>>, vector<1000x64xf32>,
    return
  }
  func.func @transform_0(%arg0: i32) -> (i32, i32) {
    %c0_i32 = arith.constant 0 : i32
    %c0_i32_0 = arith.constant 0 : i32
    return %arg0, %c0_i32 : i32, i32
  }
  func.func @transform_1(%arg0: i32) -> (i32, i32) {
    %c0_i32 = arith.constant 0 : i32
    %c0_i32_0 = arith.constant 0 : i32
    return %arg0, %c0_i32 : i32, i32
  }
  func.func @transform_2(%arg0: i32) -> (i32, i32) {
    %add3A = arith.constant 0 : i32
    %add3A_0 = arith.addi %arg0, %add3A : i32
    %c0_i32 = arith.constant 0 : i32
    %c0_i32_1 = arith.constant 0 : i32
    return %add3A_0, %c0_i32 : i32, i32
  }
  func.func @transform_3(%arg0: i32) -> (i32, i32) {
    %add3A = arith.constant 10 : i32
    %add3A_0 = arith.addi %arg0, %add3A : i32
    %c0_i32 = arith.constant 0 : i32
    %c0_i32_1 = arith.constant 0 : i32
    return %add3A_0, %c0_i32 : i32, i32
  }
  func.func @transform_4(%arg0: i32) -> (i32, i32) {
    %add3A = arith.constant 20 : i32
    %add3A_0 = arith.addi %arg0, %add3A : i32
    %c0_i32 = arith.constant 0 : i32
    %c0_i32_1 = arith.constant 0 : i32
    return %add3A_0, %c0_i32 : i32, i32
  }
  func.func @transform_5(%arg0: i32) -> (i32, i32) {
    %add3A = arith.constant 30 : i32
    %add3A_0 = arith.addi %arg0, %add3A : i32
    %c0_i32 = arith.constant 0 : i32
    %c0_i32_1 = arith.constant 0 : i32
    return %add3A_0, %c0_i32 : i32, i32
  }
  func.func @transform_6(%arg0: i32) -> (i32, i32, i32) {
    %c0_i32 = arith.constant 0 : i32
    %c0_i32_0 = arith.constant 0 : i32
    %c0_i32_1 = arith.constant 0 : i32
    return %arg0, %c0_i32, %c0_i32_0 : i32, i32, i32
  }
  func.func @transform_7(%arg0: i32) -> (i32, i32) {
    %c0_i32 = arith.constant 0 : i32
    %c0_i32_0 = arith.constant 0 : i32
    return %arg0, %c0_i32 : i32, i32
  }
}

</mosaic_0001>

<sc_bundles>
// kernel: kernel.5.cloned.1.call-start
scs
__scs_entry_jumppad:
0x0: {  	(pc) =	sbr.rel $0x88, $3  }
0x1: {  	(tag) =	ssettag $0x0;
	lr =	simm.s32 $0x1  }
0x2: {  	[smem:$0x3F9C] =	sst lr;
	_ =	strace $0xD0000000  }
0x3: {  	_ = 	snop  }
0x4: {  	_ = 	snop  }
0x5: {  	_ = 	snop  }
0x6: {  	_ = 	snop  }
0x7: {  	_ = 	snop  }
__scs_overlays_trampoline_lowered:
0x8: {  	[smem:$0x3FAB] =	sst s0  }
0x9: {  	[smem:$0x3FAC] =	sst s1  }
0xa: {  	[smem:$0x3FAD] =	sst s2  }
0xb: {  	[smem:$0x3FAE] =	sst s3  }
0xc: {  	[smem:$0x3FAF] =	sst s4  }
0xd: {  	[smem:$0x3FB0] =	sst s5  }
0xe: {  	[smem:$0x3FB1] =	sst s6  }
0xf: {  	[smem:$0x3FB2] =	sst s7  }
0x10: {  	[smem:$0x3FB3] =	sst s8  }
0x11: {  	[smem:$0x3FB4] =	sst s9;
	s0 =	simm.s32 @!p0 $0x0  }
0x12: {  	s1 =	sld [smem:$0x3F9A];
	s0 =	simm.s32 @p0 $0x1  }
0x13: {  	[smem:$0x3FB5] =	sst s0;
	s0 =	simm.s32 @!p1 $0x0  }
0x14: {  	s2 =	sld [smem:$0x3F99];
	s0 =	simm.s32 @p1 $0x1  }
0x15: {  	[smem:$0x3FB6] =	sst s0;
	s0 =	simm.s32 @!p2 $0x0  }
0x16: {  	s3 =	sld [smem:$0x3FDB];
	s0 =	simm.s32 @p2 $0x1  }
0x17: {  	s4 =	simm.s32 $0x1BF5;
	[smem:$0x3FB8] =	sst s0  }
0x18: {  	s0 =	sld [smem:$0x3F9B];
	_ =	swait.ge [sflag:s4], $0x0  }
0x19: {  	s7 =	sld [smem:$0x3F9C]  }
0x1a: {  	s8 =	sadd.s32 $0xFFFFE003, lr  }
0x1b: {  	s9 =	sadd.s32 $0xFFFFFEF7, lr;
	s5 =	simm.s32 $0xFFFFFFFF;
	p2 =	slt.u32 s8, $0xFFFFF086  }
0x1c: {  	p1 =	slt.u32 s9, $0xF7A;
	s5 =	simm.s32 @!p2 $0x0  }
0x1d: {  	s5 =	simm.s32 @p1 $0x1;
	p0 =	seq.s32 s7, s2  }
0x1e: {  	s7 =	smul.u32 @!p0 $0xF7A, s2;
	p2 =	seq.s32 @!p0 s5, $0x0  }
0x1f: {  	s9 =	smul.u32 $0xF7A, s1;
	s8 =	simm.s32 @!p0 $0x1BF5;
	p2 =	por !p2, p0  }
0x20: {  	[sflag:s8] =	ssyncset.s32 @!p0 $0xFFFFF086;
	s6 =	sadd.s32 @!p0 s3, s7;
	s7 =	simm.s32 @!p0 $0x108  }
0x21: {  	s3 =	sadd.s32 s3, s9;
	s6 =	sadd.s32 @!p0 $0x88, s6;
	s7 =	simm.s32 @p2 $0x1082  }
0x22: {  	[simem:s7], [sflag:s8] =	dma.local @!p0 [hbm:s6], $0xF7A  }
0x23: {  	s9 =	sor.u32 $0xD0000000, s2;
	s6 =	simm.s32 $0x108;
	_ =	swait.ge @!p0 [sflag:s8], $0x0  }
0x24: {  	s3 =	sadd.s32 $0x88, s3;
	s6 =	simm.s32 @!p1 $0x1082;
	[sflag:s4] =	ssyncset.s32 $0xFFFFF086  }
0x25: {  	[simem:s6], [sflag:s4] =	dma.local [hbm:s3], $0xF7A  }
0x26: {  	[smem:$0x3F9C] =	sst s1;
	(tag) =	ssettag s2;
	_ =	strace s9  }
0x27: {  	s1 =	sld [smem:$0x3FAC]  }
0x28: {  	s2 =	sld [smem:$0x3FAD]  }
0x29: {  	s4 =	sld [smem:$0x3FAF]  }
0x2a: {  	p0 =	seq.s32 s5, $0x0;
	s5 =	sld [smem:$0x3FB0]  }
0x2b: {  	s6 =	sld [smem:$0x3FB1]  }
0x2c: {  	s7 =	sld [smem:$0x3FB2]  }
0x2d: {  	s3 =	simm.s32 $0x108;
	s8 =	sld [smem:$0x3FB3]  }
0x2e: {  	s3 =	simm.s32 @!p0 $0x1082;
	s9 =	sld [smem:$0x3FB4]  }
0x2f: {  	lr =	sadd.s32 s0, s3;
	s0 =	sld [smem:$0x3FAB]  }
0x30: {  	s3 =	sld [smem:$0x3FAE]  }
0x31: {  	[smem:$0x3FB7] =	sst s10  }
0x32: {  	s10 =	sld [smem:$0x3FB5];
	_ =	sdelay $0x3  }
0x33: {  	p0 =	seq.s32 s10, $0x1;
	s10 =	sld [smem:$0x3FB7];
	_ =	sdelay $0x3  }
0x34: {  	[smem:$0x3FB7] =	sst s10  }
0x35: {  	s10 =	sld [smem:$0x3FB6];
	_ =	sdelay $0x3  }
0x36: {  	p1 =	seq.s32 s10, $0x1;
	s10 =	sld [smem:$0x3FB7];
	_ =	sdelay $0x3  }
0x37: {  	[smem:$0x3FB7] =	sst s10  }
0x38: {  	s10 =	sld [smem:$0x3FB8]  }
0x39: {  	_ = 	snop;
	(pc) =	sbr.ind lr, $3  }
0x3a: {  	_ = 	snop  }
0x3b: {  	_ = 	snop  }
0x3c: {  	p2 =	seq.s32 s10, $0x1;
	s10 =	sld [smem:$0x3FB7]  }
0x3d: {  	_ =	shalt  }
0x3e: {  	_ =	shalt  }
0x3f: {  	_ =	shalt  }
0x40: {  	_ =	shalt  }
0x41: {  	_ =	shalt  }
0x42: {  	_ =	shalt  }
0x43: {  	_ =	shalt  }
0x44: {  	_ =	shalt  }
0x45: {  	_ =	shalt  }
0x46: {  	_ =	shalt  }
0x47: {  	_ =	shalt  }
0x48: {  	_ =	shalt  }
0x49: {  	_ =	shalt  }
0x4a: {  	_ =	shalt  }
0x4b: {  	_ =	shalt  }
0x4c: {  	_ =	shalt  }
0x4d: {  	_ =	shalt  }
0x4e: {  	_ =	shalt  }
0x4f: {  	_ =	shalt  }
0x50: {  	_ =	shalt  }
0x51: {  	_ =	shalt  }
0x52: {  	_ =	shalt  }
0x53: {  	_ =	shalt  }
0x54: {  	_ =	shalt  }
0x55: {  	_ =	shalt  }
0x56: {  	_ =	shalt  }
0x57: {  	_ =	shalt  }
0x58: {  	_ =	shalt  }
0x59: {  	_ =	shalt  }
0x5a: {  	_ =	shalt  }
0x5b: {  	_ =	shalt  }
0x5c: {  	_ =	shalt  }
0x5d: {  	_ =	shalt  }
0x5e: {  	_ =	shalt  }
0x5f: {  	_ =	shalt  }
0x60: {  	_ =	shalt  }
0x61: {  	_ =	shalt  }
0x62: {  	_ =	shalt  }
0x63: {  	_ =	shalt  }
0x64: {  	_ =	shalt  }
0x65: {  	_ =	shalt  }
0x66: {  	_ =	shalt  }
0x67: {  	_ =	shalt  }
0x68: {  	_ =	shalt  }
0x69: {  	_ =	shalt  }
0x6a: {  	_ =	shalt  }
0x6b: {  	_ =	shalt  }
0x6c: {  	_ =	shalt  }
0x6d: {  	_ =	shalt  }
0x6e: {  	_ =	shalt  }
0x6f: {  	_ =	shalt  }
0x70: {  	_ =	shalt  }
0x71: {  	_ =	shalt  }
0x72: {  	_ =	shalt  }
0x73: {  	_ =	shalt  }
0x74: {  	_ =	shalt  }
0x75: {  	_ =	shalt  }
0x76: {  	_ =	shalt  }
0x77: {  	_ =	shalt  }
0x78: {  	_ =	shalt  }
0x79: {  	_ =	shalt  }
0x7a: {  	_ =	shalt  }
0x7b: {  	_ =	shalt  }
0x7c: {  	_ =	shalt  }
0x7d: {  	_ =	shalt  }
0x7e: {  	_ =	shalt  }
0x7f: {  	_ =	shalt  }
0x80: {  	_ =	shalt  }
0x81: {  	_ =	shalt  }
0x82: {  	_ =	shalt  }
0x83: {  	_ =	shalt  }
0x84: {  	_ =	shalt  }
0x85: {  	_ =	shalt  }
0x86: {  	_ =	shalt  }
0x87: {  	_ =	shalt  }
.Lfunc_end0:
.L_simem_size_0:
called_computation_lowered:
.L_overlay_start_0:
0x88: {  	s2 =	sld [smem:$0x3FD9]  }
0x89: {  	s3 =	sld [smem:$0x3FFE];
	_ =	sdelay $0x1  }
0x8a: {  	s1 =	srdreg.scid  }
0x8b: {  	s0 =	sand.u32 $0x1, s1  }
0x8c: {  	s17 =	sshll.u32 s0, $0xA;
	s2 =	sadd.s32 s3, s2  }
0x8d: {  	s2 =	sadd.s32 s2, s17  }
0x8e: {  	[smem:$0x3FC3] =	sst s2  }
0x8f: {  	_ = 	snop  }
0x90: {  	s2 =	sld [smem:$0x3FC8]  }
0x91: {  	s18 =	sld [smem:$0x3FD0];
	(tm) =	ssettm $0x1  }
0x92: {  	s4 =	sld [smem:$0x3FFB];
	_ =	sdelay $0x3  }
0x93: {  	_ =	strace s4  }
0x94: {  	s4 =	sld [smem:$0x3FFC];
	_ =	sdelay $0x3  }
0x95: {  	_ =	strace s4  }
0x96: {  	s4 =	sld [smem:$0x3FFD];
	_ =	sdelay $0x3  }
0x97: {  	_ =	strace s4  }
0x98: {  	_ =	strace $0x8FFFFFFF  }
0x99: {  	s19 =	sld [smem:$0x3FDB];
	_ =	sdelay $0x1  }
0x9a: {  	s5 =	simm.s32 $_scs_section_size  }
0x9b: {  	s6 =	simm.s32 $_size__tile_overlayer_lowered;
	s7 =	simm.s32 $_tile_overlayer_lowered  }
0x9c: {  	s22 =	simm.s32 $0x1BFF;
	s21 =	sshll.u32 s7, $0x1;
	s4 =	sadd.s32 s5, s19  }
0x9d: {  	s8 =	simm.s32 $0x0;
	s20 =	sshll.u32 s6, $0x1;
	s6 =	sadd.s32 s21, s4  }
0x9e: {  	[timem:s8], [sflag:s22] =	dma.local [hbm:s6], s20  }
0x9f: {  	_ =	swait.ge [sflag:s22], s20  }
0xa0: {  	s5 =	ssub.s32 $0x0, s20;
	[sflag:s22] =	ssyncset.done $0x0  }
0xa1: {  	[sflag:s22] =	ssyncadd.s32 s5;
	_ =	sdelay $0x1  }
0xa2: {  	s23 =	simm.s32 $0x1B8B  }
0xa3: {  	_ =	swait.ge [sflag:s23], $0x1  }
0xa4: {  	[sflag:s23] =	ssyncset.done $0x0  }
0xa5: {  	s25 =	simm.s32 $0x1B8E;
	s24 =	sld [smem:$0x3FFE];
	[sflag:s23] =	ssyncadd.s32 $0xFFFFFFFF  }
0xa6: {  	s26 =	simm.s32 $execute0_lowered;
	[smem:$0x3FD2] =	sst s25  }
0xa7: {  	s6 =	sshll.u32 s26, $0x1;
	_ =	strace $0x80000046;
	[dreg:$0x1] =	wrdreg $0xFFFFFFFF  }
0xa8: {  	s28 =	simm.s32 $_size_execute0_lowered;
	s4 =	sadd.s32 s4, s6;
	[dreg:$0x0] =	wrdreg $0x0  }
0xa9: {  	s6 =	sshll.u32 s28, $0x1;
	[dreg:$0x2] =	wrdreg s4  }
0xaa: {  	[dreg:$0x3] =	wrdreg s6  }
0xab: {  	[dreg:$0x4] =	wrdreg $0xC0  }
0xac: {  	_ =	task [dreg:s8], $0x5FFFF  }
0xad: {  	[dreg:$0x1] =	wrdreg $0xFFFFFFFF  }
0xae: {  	[dreg:$0x0] =	wrdreg $0x60  }
0xaf: {  	[dreg:$0x2] =	wrdreg s2  }
0xb0: {  	[dreg:$0x3] =	wrdreg s24  }
0xb1: {  	[dreg:$0x4] =	wrdreg s18  }
0xb2: {  	[dreg:$0x5] =	wrdreg $0x159B00  }
0xb3: {  	[dreg:$0x6] =	wrdreg $0x9  }
0xb4: {  	_ =	task.clear_ibuf [dreg:s8], $0x7FFFF;
	_ =	strace $0x90000046  }
0xb5: {  	s29 =	simm.s32 $0x9;
	_ =	strace $0x80000048  }
0xb6: {  	_ =	swait.ge [sflag:s29], $0x1  }
0xb7: {  	[sflag:s29] =	ssyncadd.s32 $0xFFFFFFFF  }
0xb8: {  	_ =	strace $0x90000048  }
0xb9: {  	_ =	sfence  }
0xba: {  	s30 =	sld [smem:$0x0];
	_ =	sdelay $0x2  }
0xbb: {  	s31 =	sshll.u32 s1, $0xD;
	s1 =	sshrl.u32 s1, $0x2  }
0xbc: {  	s3 =	sand.u32 $0x4000, s31;
	s1 =	sadd.s32 s1, s30  }
0xbd: {  	s0 =	sor.u32 s3, s0;
	s1 =	sshll.u32 s1, $0x11  }
0xbe: {  	s0 =	sor.u32 s1, s0  }
0xbf: {  	s0 =	sadd.s32 $0x8F2B, s0  }
0xc0: {  	[sflag:s0] =	ssyncadd.remote.s32 $0x1  }
0xc1: {  	_ =	sfence.sel $0xFFFF  }
0xc2: {  	[dreg:$0x0] =	wrdreg $0xFFFFFFFF;
	(pc) =	sbr.abs _section_cstart, $3  }
0xc3: {  	[dreg:$0x1] =	wrdreg $0xFFFFFFFF  }
0xc4: {  	_ =	task.clear_ibuf [dreg:s8], $0x2FFFF;
	_ =	strace $0x9FFFFFFF  }
0xc5: {  	(tm) =	ssettm $0x7FFFFFFF  }
tec
execute0_lowered:
.L_overlay_start_1:
0x0: {  	(tag) =	ssettag $0x1  }
0x1: {  	s0 =	rddreg [dreg:$0x1]  }
0x2: {  	s1 =	rddreg [dreg:$0x2]  }
0x3: {  	s2 =	rddreg [dreg:$0x3];
	s3 =	srdreg.scid;
	s4 =	simm.s32 $0x0  }
0x4: {  	s17 =	stileid.u32;
	s16 =	simm.s32 $0xB;
	s28 =	simm.s32 $0x6  }
0x5: {  	s29 =	simm.s32 $0x7;
	s30 =	simm.s32 $0x8;
	s31 =	simm.s32 $0x9  }
0x6: {  	s3 =	sand.u32 $0x1, s3;
	[smem:$0x7FF] =	sst s4;
	s12 =	smul.u32 $0x5000, s17  }
0x7: {  	s6 =	sadd.s32 $0x1DC00, s0;
	s7 =	sadd.s32 $0x13E00, s0;
	s20 =	smul.u32 $0x50, s17  }
0x8: {  	s8 =	sadd.s32 $0x1E200, s0;
	s19 =	ssub.s32 $0x8C, s17;
	s23 =	smul.u32 $0x280, s17  }
0x9: {  	s5 =	sshll.u32 s3, $0x4;
	_ =	strace $0x80000047;
	[dreg:$0x5] =	wrdreg s6  }
0xa: {  	s6 =	sadd.s32 $0xA000, s0;
	s9 =	ssub.s32 $0x2, s3;
	s11 =	smul.u32 $0x2710, s3  }
0xb: {  	s21 =	smul.u32 $0x13880, s3;
	s5 =	sor.u32 s17, s5;
	s10 =	sshrl.u32 s9, $0x1  }
0xc: {  	s25 =	sshrl.u32 s12, $0x2;
	s17 =	simm.s32 $0x2710;
	s5 =	smul.u32 $0x4E2, s5  }
0xd: {  	s9 =	ssub.s32 s9, s10;
	s10 =	sshrl.u32 s19, $0x4;
	s24 =	sadd.s32 s20, s11  }
0xe: {  	s13 =	sadd.s32 s25, s2;
	s25 =	simm.s32 $0x4E20;
	s20 =	simm.s32 $0xCEA0  }
0xf: {  	s22 =	smax.u32 s9, $0x1;
	s3 =	sshll.u32 s24, $0x3;
	s0 =	sadd.s32 s5, s0  }
0x10: {  	s1 =	sadd.s32 s1, s5;
	[dreg:$0x9] =	wrdreg s22;
	s26 =	sadd.s32 s8, s3  }
0x11: {  	s18 =	sadd.s32 $0x200, s0;
	[dreg:$0x7] =	wrdreg s1;
	s0 =	sadd.s32 $0x6C400, s0  }
0x12: {  	s15 =	sadd.s32 $0x27100, s26;
	s26 =	simm.s32 $0x132A0;
	[dreg:$0x6] =	wrdreg s18  }
0x13: {  	s1 =	simm.s32 $0x0;
	[dreg:$0x8] =	wrdreg s0;
	s0 =	sadd.s32 s21, s8  }
0x14: {  	v0 =	vimm.f32 $0.0e+00;
	s21 =	simm.s32 $0x50;
	s14 =	sadd.s32 s23, s0;
	s0 =	simm.s32 $0xA  }
.LBB2_1:
0x15: {  	s3 =	rddreg [dreg:$0x0];
	s4 =	simm.s32 $0x0  }
0x16: {  	[tilespmem:s4], [sflag:$0xB] =	stream.linear.gather [hbm4b:s3+s4], $0x2710, $0x38;
	[tilespmem:$0x1F5F0] =	vst v63  }
0x17: {  	_ =	swait.ge [sflag:s16], $0x2710  }
0x18: {  	[sflag:s16] =	ssyncset.done $0x0  }
0x19: {  	s22 =	rddreg [dreg:$0x5];
	[sflag:s16] =	ssyncadd.s32 $0xFFFFD8F0  }
0x1a: {  	[tilespmem:s17], [sflag:$0xB] =	stream.linear.gather [hbm4b:s22+s4], $0x2710, $0x38;
	[tilespmem:$0x1F5F0] =	vst v63  }
0x1b: {  	_ =	swait.ge [sflag:s16], $0x2710  }
0x1c: {  	[sflag:s16] =	ssyncset.done $0x0  }
0x1d: {  	s23 =	rddreg [dreg:$0x6];
	[sflag:s16] =	ssyncadd.s32 $0xFFFFD8F0  }
0x1e: {  	[tilespmem:s25], [sflag:$0xB] =	stream.linear.gather [hbm4b:s23+s4], $0x2710, $0x38;
	[tilespmem:$0x1F5F0] =	vst v63  }
0x1f: {  	_ =	swait.ge [sflag:s16], $0x2710  }
0x20: {  	[sflag:s16] =	ssyncset.done $0x0  }
0x21: {  	s5 =	simm.s32 $0x7530;
	s24 =	rddreg [dreg:$0x7];
	[sflag:s16] =	ssyncadd.s32 $0xFFFFD8F0  }
0x22: {  	[tilespmem:s5], [sflag:$0xB] =	stream.linear.gather [hbm4b:s24+s4], $0x2710, $0x38;
	[tilespmem:$0x1F5F0] =	vst v63  }
0x23: {  	_ =	swait.ge [sflag:s16], $0x2710  }
0x24: {  	[sflag:s16] =	ssyncset.done $0x0  }
0x25: {  	s3 =	simm.s32 $0x0;
	[sflag:s16] =	ssyncadd.s32 $0xFFFFD8F0  }
.LBB2_2:
0x26: {  	p0 =	sne.s32 s3, $0x9C00  }
.Ltmp0:
0x27: {  	_ = 	snop;
	(pc) =	sbr.rel @p0 .LBB2_2-.Ltmp0, $3  }
0x28: {  	_ =	sdelay $0x1  }
0x29: {  	s5 =	sshra.s32 s3, $0x2  }
0x2a: {  	s3 =	sadd.s32 $0x40, s3;
	[tilespmem:s5+$0x132A0] =	vst v0  }
0x2b: {  	s5 =	simm.s32 $0x100;
	s3 =	simm.s32 $0x0  }
.LBB2_4:
0x2c: {  	p0 =	sne.s32 s5, $0x4F00;
	[tilespmem:s3+$0xCED0] =	vst v0;
	s8 =	smov.u32 s5;
	s5 =	sadd.s32 $0x100, s5  }
.Ltmp1:
0x2d: {  	[tilespmem:s3+$0xCEC0] =	vst v0;
	(pc) =	sbr.rel @p0 .LBB2_4-.Ltmp1, $3  }
0x2e: {  	[tilespmem:s3+$0xCEA0] =	vst v0  }
0x2f: {  	[tilespmem:s3+$0xCEB0] =	vst v0;
	_ =	sdelay $0x1  }
0x30: {  	s3 =	sshra.s32 s8, $0x2  }
0x31: {  	[tilespmem:s3+$0xCED0] =	vst v0  }
0x32: {  	[tilespmem:s3+$0xCEC0] =	vst v0;
	p0 =	sne.s32 s10, $0x1  }
.Ltmp2:
0x33: {  	[tilespmem:s3+$0xCEA0] =	vst v0;
	(pc) =	sbr.rel @!p0 .LBB2_7-.Ltmp2, $4  }
0x34: {  	[tilespmem:s3+$0xCEB0] =	vst v0  }
0x35: {  	[spmem:s13] =	stream.linear.scatter [tilespmem:s20], [sflag:$0xB], $0x1400, $0x38;
	[tilespmem:$0x1F5F0] =	vst v63  }
0x36: {  	_ =	swait.ge [sflag:s16], $0x1400  }
0x37: {  	s3 =	sadd.s32 $0xFFFFFFFF, s10;
	s5 =	smov.u32 s13;
	[sflag:s16] =	ssyncset.done $0x0  }
.LBB2_6:
0x38: {  	p1 =	sne.s32 s3, $0x1;
	[sflag:s16] =	ssyncadd.s32 $0xFFFFEC00;
	s5 =	sadd.s32 $0x14000, s5  }
.Ltmp3:
0x39: {  	s3 =	sadd.s32 $0xFFFFFFFF, s3;
	(pc) =	sbr.rel @p1 .LBB2_6-.Ltmp3, $4  }
0x3a: {  	_ = 	snop  }
0x3b: {  	[spmem:s5] =	stream.linear.scatter [tilespmem:s20], [sflag:$0xB], $0x1400, $0x38;
	[tilespmem:$0x1F5F0] =	vst v63  }
0x3c: {  	_ =	swait.ge [sflag:s16], $0x1400  }
0x3d: {  	[sflag:s16] =	ssyncset.done $0x0  }
.LBB2_7:
0x3e: {  	[sflag:s16] =	ssyncadd.s32 $0xFFFFEC00  }
0x3f: {  	s3 =	simm.s32 $0x9CA0;
	s4 =	simm.s32 $0x4E70;
	[bflag:$0x0] =	sbarrier.arrive $0xFFFF  }
0x40: {  	[tilespmem:s3], [sflag:$0x1] =	stream.indirect.gather [hbm4b:s6+s21], $0x20, s25, s21, $0xb8;
	[tilespmem:$0x1F5F0] =	vst v63  }
0x41: {  	s5 =	simm.s32 $0xA6A0;
	s23 =	simm.s32 $0x4EC0;
	s24 =	simm.s32 $0xB0A0  }
0x42: {  	[tilespmem:s5], [sflag:$0x2] =	stream.indirect.gather [hbm4b:s6+s21], $0x20, s4, s21, $0xb8;
	[tilespmem:$0x1F5F0] =	vst v63  }
0x43: {  	s19 =	simm.s32 $0x0;
	s8 =	simm.s32 $0x0;
	s5 =	simm.s32 $0xCEA0  }
0x44: {  	[tilespmem:s24], [sflag:$0x3] =	stream.indirect.gather [hbm4b:s6+s21], $0x20, s23, s21, $0xb8;
	[tilespmem:$0x1F5F0] =	vst v63  }
.LBB2_8:
0x45: {  	s9 =	smul.u32 $0xCD, s8;
	_ =	sdelay $0x1  }
0x46: {  	s9 =	sshrl.u32 s9, $0xA  }
0x47: {  	s9 =	sand.u32 $0x3F, s9  }
0x48: {  	s9 =	smul.u32 $0x5, s9;
	_ =	sdelay $0x1  }
0x49: {  	s9 =	ssub.s32 s8, s9  }
0x4a: {  	s9 =	sand.u32 $0xFF, s9  }
0x4b: {  	s11 =	sadd.s32 $0x1, s9  }
0x4c: {  	_ =	swait.ge [sflag:s11], $0xA00  }
0x4d: {  	p1 =	slt.u32 s8, $0x5;
	[sflag:s11] =	ssyncset.done $0x0  }
0x4e: {  	s12 =	sadd.s32 @!p1 $0x6, s9;
	[sflag:s11] =	ssyncadd.s32 $0xFFFFF600  }
0x4f: {  	_ =	swait.ge @!p1 [sflag:s12], $0x1400  }
0x50: {  	s23 =	smul.u32 $0x50, s8;
	[sflag:s12] =	ssyncset.done @!p1 $0x0  }
0x51: {  	[sflag:s12] =	ssyncadd.s32 @!p1 $0xFFFFEC00  }
0x52: {  	v1 =	vld [tilespmem:s23+$0x4E20]  }
0x53: {  	v2 =	vld [tilespmem:s23+$0x7530];
	_ =	sdelay $0x6  }
0x54: {  	v3 =	vld.idx.msk [tilespmem:v1+s19+$0x0], $0xffff  }
0x55: {  	v4 =	vld.idx.msk [tilespmem:v2+s19+$0x0], $0xffff;
	_ =	sdelay $0x2  }
0x56: {  	v1 =	vld.idx.msk [tilespmem:v1+s17+$0x0], $0xffff;
	_ =	sdelay $0x1  }
0x57: {  	v3 =	vsub.f32 v3, v4;
	_ =	sdelay $0x1  }
0x58: {  	v3 =	vand.u32 $0x7FFFFFFF, v3  }
0x59: {  	v1 =	vmul.f32 v3, v1;
	_ =	sdelay $0x1  }
0x5a: {  	v1 =	vmul.f32 $-2.000000090e-03, v1;
	_ =	sdelay $0x1  }
0x5b: {  	v1 =	vmul.f32 $1.442695020e+00, v1;
	_ =	sdelay $0x1  }
0x5c: {  	(erf) = vpow2.f32 v1;
	_ =	sdelay $0x8  }
0x5d: {  	v1 =	vpop (erf)  }
0x5e: {  	[tilespmem:$0x9C40] =	vst v1  }
0x5f: {  	[tilespmem:v2+s26+$0x0] =	vst.idx.add.f32.msk $0xffff, v1  }
0x60: {  	v1 =	vld [tilespmem:s23+$0x4E30]  }
0x61: {  	v2 =	vld [tilespmem:s23+$0x7540];
	_ =	sdelay $0x6  }
0x62: {  	v3 =	vld.idx.msk [tilespmem:v1+s19+$0x0], $0xffff  }
0x63: {  	v59 =	vld.idx.msk [tilespmem:v2+s19+$0x0], $0xffff;
	_ =	sdelay $0x2  }
0x64: {  	v1 =	vld.idx.msk [tilespmem:v1+s17+$0x0], $0xffff;
	_ =	sdelay $0x1  }
0x65: {  	v3 =	vsub.f32 v3, v59;
	_ =	sdelay $0x1  }
0x66: {  	v3 =	vand.u32 $0x7FFFFFFF, v3  }
0x67: {  	v1 =	vmul.f32 v3, v1;
	_ =	sdelay $0x1  }
0x68: {  	v1 =	vmul.f32 $-2.000000090e-03, v1;
	_ =	sdelay $0x1  }
0x69: {  	v1 =	vmul.f32 $1.442695020e+00, v1;
	_ =	sdelay $0x1  }
0x6a: {  	(erf) = vpow2.f32 v1;
	_ =	sdelay $0x8  }
0x6b: {  	v1 =	vpop (erf)  }
0x6c: {  	[tilespmem:$0x9C50] =	vst v1  }
0x6d: {  	[tilespmem:v2+s26+$0x0] =	vst.idx.add.f32.msk $0xffff, v1  }
0x6e: {  	v1 =	vld [tilespmem:s23+$0x4E40]  }
0x6f: {  	v2 =	vld [tilespmem:s23+$0x7550];
	_ =	sdelay $0x6  }
0x70: {  	v3 =	vld.idx.msk [tilespmem:v1+s19+$0x0], $0xffff  }
0x71: {  	v60 =	vld.idx.msk [tilespmem:v2+s19+$0x0], $0xffff;
	_ =	sdelay $0x2  }
0x72: {  	v1 =	vld.idx.msk [tilespmem:v1+s17+$0x0], $0xffff;
	_ =	sdelay $0x1  }
0x73: {  	v3 =	vsub.f32 v3, v60;
	_ =	sdelay $0x1  }
0x74: {  	v3 =	vand.u32 $0x7FFFFFFF, v3  }
0x75: {  	v1 =	vmul.f32 v3, v1;
	_ =	sdelay $0x1  }
0x76: {  	v1 =	vmul.f32 $-2.000000090e-03, v1;
	_ =	sdelay $0x1  }
0x77: {  	v1 =	vmul.f32 $1.442695020e+00, v1;
	_ =	sdelay $0x1  }
0x78: {  	(erf) = vpow2.f32 v1;
	_ =	sdelay $0x8  }
0x79: {  	v1 =	vpop (erf)  }
0x7a: {  	[tilespmem:$0x9C60] =	vst v1  }
0x7b: {  	[tilespmem:v2+s26+$0x0] =	vst.idx.add.f32.msk $0xffff, v1  }
0x7c: {  	v1 =	vld [tilespmem:s23+$0x4E50]  }
0x7d: {  	v2 =	vld [tilespmem:s23+$0x7560];
	_ =	sdelay $0x6  }
0x7e: {  	v3 =	vld.idx.msk [tilespmem:v1+s19+$0x0], $0xffff  }
0x7f: {  	v61 =	vld.idx.msk [tilespmem:v2+s19+$0x0], $0xffff;
	_ =	sdelay $0x2  }
0x80: {  	v1 =	vld.idx.msk [tilespmem:v1+s17+$0x0], $0xffff;
	_ =	sdelay $0x1  }
0x81: {  	v3 =	vsub.f32 v3, v61;
	_ =	sdelay $0x1  }
0x82: {  	v3 =	vand.u32 $0x7FFFFFFF, v3  }
0x83: {  	v1 =	vmul.f32 v3, v1;
	_ =	sdelay $0x1  }
0x84: {  	v1 =	vmul.f32 $-2.000000090e-03, v1;
	_ =	sdelay $0x1  }
0x85: {  	v1 =	vmul.f32 $1.442695020e+00, v1;
	_ =	sdelay $0x1  }
0x86: {  	(erf) = vpow2.f32 v1;
	_ =	sdelay $0x8  }
0x87: {  	v1 =	vpop (erf)  }
0x88: {  	[tilespmem:$0x9C70] =	vst v1  }
0x89: {  	[tilespmem:v2+s26+$0x0] =	vst.idx.add.f32.msk $0xffff, v1  }
0x8a: {  	v1 =	vld [tilespmem:s23+$0x4E60]  }
0x8b: {  	v2 =	vld [tilespmem:s23+$0x7570];
	_ =	sdelay $0x6  }
0x8c: {  	v3 =	vld.idx.msk [tilespmem:v1+s19+$0x0], $0xffff  }
0x8d: {  	v62 =	vld.idx.msk [tilespmem:v2+s19+$0x0], $0xffff;
	_ =	sdelay $0x2  }
0x8e: {  	v1 =	vld.idx.msk [tilespmem:v1+s17+$0x0], $0xffff;
	_ =	sdelay $0x1  }
0x8f: {  	v3 =	vsub.f32 v3, v62;
	_ =	sdelay $0x1  }
0x90: {  	v3 =	vand.u32 $0x7FFFFFFF, v3  }
0x91: {  	v1 =	vmul.f32 v3, v1;
	_ =	sdelay $0x1  }
0x92: {  	v1 =	vmul.f32 $-2.000000090e-03, v1;
	_ =	sdelay $0x1  }
0x93: {  	v1 =	vmul.f32 $1.442695020e+00, v1;
	_ =	sdelay $0x1  }
0x94: {  	(erf) = vpow2.f32 v1;
	_ =	sdelay $0x4  }
0x95: {  	s24 =	smulhi.u32 $0xCCCCCCCD, s8;
	_ =	sdelay $0x1  }
0x96: {  	s18 =	sshrl.u32 s24, $0x2  }
0x97: {  	s12 =	smul.u32 $0xFFFF3800, s18  }
0x98: {  	v1 =	vpop (erf)  }
0x99: {  	s12 =	sshra.s32 s12, $0x2;
	[tilespmem:$0x9C80] =	vst v1  }
0x9a: {  	s12 =	sadd.s32 s12, s3;
	[tilespmem:v2+s26+$0x0] =	vst.idx.add.f32.msk $0xffff, v1  }
0x9b: {  	s22 =	simm.s32 $0x0;
	v1 =	vld [tilespmem:s12+$0x0]  }
0x9c: {  	v3 =	vld.msk [tilespmem:s22+$0x9C40 ss:$0x0], $0xffff;
	_ =	sdelay $0x2  }
0x9d: {  	s18 =	smul.u32 $0xFFFE7000, s18  }
0x9e: {  	v2 =	vunpack.i.l.bf16.f32 v1  }
0x9f: {  	s18 =	sshra.s32 s18, $0x2;
	v1 =	vunpack.i.u.bf16.f32 v1;
	v2 =	vmul.f32 v2, v3  }
0xa0: {  	s22 =	sadd.s32 s18, s5;
	v1 =	vmul.f32 v1, v3  }
0xa1: {  	[tilespmem:s22+$0x0] =	vst v2  }
0xa2: {  	[tilespmem:s22+$0x10] =	vst v1  }
0xa3: {  	v1 =	vld [tilespmem:s12+$0x10];
	_ =	sdelay $0x4  }
0xa4: {  	v63 =	vunpack.i.u.bf16.f32 v1;
	v1 =	vunpack.i.l.bf16.f32 v1  }
0xa5: {  	s24 =	simm.s32 $0x4;
	s11 =	sadd.s32 $0x7530, s23;
	s23 =	smov.u32 s22;
	v2 =	vmul.f32 v1, v3;
	v1 =	vmul.f32 v63, v3  }
.LBB2_9:
0xa6: {  	p1 =	sne.s32 s24, $0x13C;
	s12 =	sadd.s32 $0x20, s12;
	s22 =	sadd.s32 $0x40, s22  }
0xa7: {  	s18 =	smov.u32 s24;
	s24 =	sadd.s32 $0x4, s24;
	[tilespmem:s23+$0x20] =	vst v2  }
0xa8: {  	[tilespmem:s23+$0x30] =	vst v1;
	s23 =	smov.u32 s22  }
0xa9: {  	s18 =	sshra.s32 s18, $0x2;
	v1 =	vld [tilespmem:s12+$0x0]  }
0xaa: {  	v3 =	vld.msk [tilespmem:s18+$0x9C40 ss:$0x0], $0xffff;
	_ =	sdelay $0x4  }
0xab: {  	v2 =	vunpack.i.u.bf16.f32 v1;
	v1 =	vunpack.i.l.bf16.f32 v1  }
0xac: {  	v1 =	vmul.f32 v1, v3;
	v2 =	vmul.f32 v2, v3;
	_ =	sdelay $0x1  }
0xad: {  	[tilespmem:s22+$0x0] =	vst v1  }
0xae: {  	[tilespmem:s22+$0x10] =	vst v2  }
0xaf: {  	v1 =	vld [tilespmem:s12+$0x10];
	_ =	sdelay $0x1  }
.Ltmp4:
0xb0: {  	(pc) =	sbr.rel @p1 .LBB2_9-.Ltmp4, $3  }
0xb1: {  	_ =	sdelay $0x1  }
0xb2: {  	v4 =	vunpack.i.u.bf16.f32 v1;
	v1 =	vunpack.i.l.bf16.f32 v1  }
0xb3: {  	v2 =	vmul.f32 v1, v3;
	v1 =	vmul.f32 v4, v3  }
0xb4: {  	p1 =	sgt.u32 s8, $0x79  }
0xb5: {  	s12 =	sadd.s32 @!p1 $0x3, s8  }
0xb6: {  	s18 =	smul.u32 @!p1 $0xCD, s12  }
0xb7: {  	s22 =	smul.u32 $0x5000, s9  }
0xb8: {  	s18 =	sshrl.u32 @!p1 s18, $0xA  }
0xb9: {  	[tilespmem:s23+$0x20] =	vst v2;
	s22 =	sshrl.u32 s22, $0x2;
	s18 =	sand.u32 @!p1 $0x3F, s18  }
0xba: {  	s24 =	sadd.s32 $0x6, s9;
	[tilespmem:s23+$0x30] =	vst v1;
	s22 =	sadd.s32 $0xCEA0, s22;
	s18 =	smul.u32 @!p1 $0x5, s18  }
0xbb: {  	[spmem:s2] =	stream.indirect.scatter.add.f32 [tilespmem:s22], [sflag:s24], $0x40, s11, s21, $0xb8;
	[tilespmem:$0x1F5F0] =	vst v63  }
0xbc: {  	s9 =	ssub.s32 @!p1 s12, s18  }
0xbd: {  	s12 =	smul.u32 @!p1 $0x140, s12;
	s9 =	sand.u32 @!p1 $0xFF, s9  }
0xbe: {  	s11 =	smul.u32 @!p1 $0x2800, s9  }
0xbf: {  	s8 =	sadd.s32 $0x1, s8  }
0xc0: {  	s18 =	simm.s32 @!p1 $0x50;
	s12 =	sshra.s32 @!p1 s12, $0x2;
	s11 =	sshrl.u32 @!p1 s11, $0x2  }
0xc1: {  	s9 =	sadd.s32 @!p1 $0x1, s9;
	s12 =	sadd.s32 @!p1 $0x4E20, s12;
	s11 =	sadd.s32 @!p1 $0x9CA0, s11  }
0xc2: {  	[tilespmem:s11], [sflag:s9] =	stream.indirect.gather @!p1 [hbm4b:s6+s18], $0x20, s12, s18, $0xb8;
	[tilespmem:$0x1F5F0] =	vst v63  }
0xc3: {  	p1 =	sne.s32 s8, $0x7D  }
.Ltmp5:
0xc4: {  	_ = 	snop;
	(pc) =	sbr.rel @p1 .LBB2_8-.Ltmp5, $2  }
0xc5: {  	_ =	sdelay $0x2  }
0xc6: {  	s3 =	sadd.s32 $0xA00, s3;
	s5 =	sadd.s32 $0x1400, s5  }
0xc7: {  	_ =	swait.ge [sflag:s28], $0x1400  }
0xc8: {  	[sflag:s28] =	ssyncset.done $0x0  }
0xc9: {  	[sflag:s28] =	ssyncadd.s32 $0xFFFFEC00  }
0xca: {  	_ =	swait.ge [sflag:s29], $0x1400  }
0xcb: {  	[sflag:s29] =	ssyncset.done $0x0  }
0xcc: {  	[sflag:s29] =	ssyncadd.s32 $0xFFFFEC00  }
0xcd: {  	_ =	swait.ge [sflag:s30], $0x1400  }
0xce: {  	[sflag:s30] =	ssyncset.done $0x0  }
0xcf: {  	[sflag:s30] =	ssyncadd.s32 $0xFFFFEC00  }
0xd0: {  	_ =	swait.ge [sflag:s31], $0x1400  }
0xd1: {  	[sflag:s31] =	ssyncset.done $0x0  }
0xd2: {  	[sflag:s31] =	ssyncadd.s32 $0xFFFFEC00  }
0xd3: {  	_ =	swait.ge [sflag:s0], $0x1400  }
.Ltmp6:
0xd4: {  	s3 =	stileid.u32;
	[sflag:s0] =	ssyncset.done $0x0;
	(pc) =	sbr.rel @!p0 .LBB2_13-.Ltmp6, $4  }
0xd5: {  	s8 =	sadd.s32 $0xFFFFFFFF, s10;
	s5 =	sshll.u32 s3, $0x6;
	[sflag:s0] =	ssyncadd.s32 $0xFFFFEC00  }
0xd6: {  	s3 =	sshrl.u32 s13, $0x3;
	s19 =	sor.u32 $0x1C0B, s5;
	[bflag:$0x0] =	sbarrier.arrive $0xFFFF  }
0xd7: {  	[hbm:s14], [sflag:s19] =	dma.local [spmem:s3], $0x280  }
0xd8: {  	s9 =	sadd.s32 $0x2800, s14;
	s11 =	smov.u32 s13;
	_ =	swait.ge [sflag:s16], $0x280  }
.LBB2_12:
0xd9: {  	[sflag:s16] =	ssyncset.done $0x0  }
0xda: {  	s11 =	sadd.s32 $0x14000, s11;
	s19 =	sor.u32 $0x1C0B, s5;
	p1 =	sne.s32 s8, $0x1  }
.Ltmp7:
0xdb: {  	s12 =	sshrl.u32 s11, $0x3;
	[sflag:s16] =	ssyncadd.s32 $0xFFFFFD80;
	(pc) =	sbr.rel @p1 .LBB2_12-.Ltmp7, $3  }
0xdc: {  	[hbm:s9], [sflag:s19] =	dma.local [spmem:s12], $0x280  }
0xdd: {  	s8 =	sadd.s32 $0xFFFFFFFF, s8;
	_ =	sdelay $0x1  }
0xde: {  	s9 =	sadd.s32 $0x2800, s9;
	_ =	swait.ge [sflag:s16], $0x280  }
.LBB2_13:
0xdf: {  	[sflag:s16] =	ssyncset.done $0x0  }
0xe0: {  	s5 =	simm.s32 $0x0;
	s4 =	rddreg [dreg:$0x8];
	[sflag:s16] =	ssyncadd.s32 $0xFFFFFD80  }
0xe1: {  	[hbm4b:s4+s5] =	stream.linear.scatter [tilespmem:s26], [sflag:$0xB], $0x2710, $0x38;
	[tilespmem:$0x1F5F0] =	vst v63  }
0xe2: {  	_ =	swait.ge [sflag:s16], $0x2710  }
0xe3: {  	[sflag:s16] =	ssyncset.done $0x0  }
0xe4: {  	s8 =	simm.s32 $0x100;
	s5 =	simm.s32 $0x0;
	[sflag:s16] =	ssyncadd.s32 $0xFFFFD8F0  }
.LBB2_14:
0xe5: {  	p1 =	sne.s32 s8, $0x4F00;
	[tilespmem:s5+$0xCED0] =	vst v0;
	s9 =	smov.u32 s8;
	s8 =	sadd.s32 $0x100, s8  }
.Ltmp8:
0xe6: {  	[tilespmem:s5+$0xCEC0] =	vst v0;
	(pc) =	sbr.rel @p1 .LBB2_14-.Ltmp8, $3  }
0xe7: {  	[tilespmem:s5+$0xCEA0] =	vst v0  }
0xe8: {  	[tilespmem:s5+$0xCEB0] =	vst v0;
	_ =	sdelay $0x1  }
0xe9: {  	s5 =	sshra.s32 s9, $0x2  }
0xea: {  	[tilespmem:s5+$0xCED0] =	vst v0  }
0xeb: {  	[tilespmem:s5+$0xCEC0] =	vst v0  }
.Ltmp9:
0xec: {  	[tilespmem:s5+$0xCEA0] =	vst v0;
	(pc) =	sbr.rel @!p0 .LBB2_17-.Ltmp9, $4  }
0xed: {  	[tilespmem:s5+$0xCEB0] =	vst v0  }
0xee: {  	[spmem:s13] =	stream.linear.scatter [tilespmem:s20], [sflag:$0xB], $0x1400, $0x38;
	[tilespmem:$0x1F5F0] =	vst v63  }
0xef: {  	_ =	swait.ge [sflag:s16], $0x1400  }
0xf0: {  	s5 =	sadd.s32 $0xFFFFFFFF, s10;
	s8 =	smov.u32 s13;
	[sflag:s16] =	ssyncset.done $0x0  }
.LBB2_16:
0xf1: {  	p1 =	sne.s32 s5, $0x1;
	[sflag:s16] =	ssyncadd.s32 $0xFFFFEC00;
	s8 =	sadd.s32 $0x14000, s8  }
.Ltmp10:
0xf2: {  	s5 =	sadd.s32 $0xFFFFFFFF, s5;
	(pc) =	sbr.rel @p1 .LBB2_16-.Ltmp10, $4  }
0xf3: {  	_ = 	snop  }
0xf4: {  	[spmem:s8] =	stream.linear.scatter [tilespmem:s20], [sflag:$0xB], $0x1400, $0x38;
	[tilespmem:$0x1F5F0] =	vst v63  }
0xf5: {  	_ =	swait.ge [sflag:s16], $0x1400  }
0xf6: {  	[sflag:s16] =	ssyncset.done $0x0  }
.LBB2_17:
0xf7: {  	[sflag:s16] =	ssyncadd.s32 $0xFFFFEC00  }
0xf8: {  	s5 =	simm.s32 $0x9CA0;
	s4 =	simm.s32 $0x4E70;
	[bflag:$0x0] =	sbarrier.arrive $0xFFFF  }
0xf9: {  	[tilespmem:s5], [sflag:$0x1] =	stream.indirect.gather [hbm4b:s7+s21], $0x20, s25, s21, $0xb8;
	[tilespmem:$0x1F5F0] =	vst v63  }
0xfa: {  	s8 =	simm.s32 $0xA6A0;
	s24 =	simm.s32 $0x4EC0;
	s9 =	simm.s32 $0xCEA0  }
0xfb: {  	[tilespmem:s8], [sflag:$0x2] =	stream.indirect.gather [hbm4b:s7+s21], $0x20, s4, s21, $0xb8;
	[tilespmem:$0x1F5F0] =	vst v63  }
0xfc: {  	s11 =	simm.s32 $0x0;
	s25 =	simm.s32 $0xB0A0;
	s8 =	simm.s32 $0x0  }
0xfd: {  	[tilespmem:s25], [sflag:$0x3] =	stream.indirect.gather [hbm4b:s7+s21], $0x20, s24, s21, $0xb8;
	[tilespmem:$0x1F5F0] =	vst v63  }
.LBB2_18:
0xfe: {  	s12 =	smul.u32 $0xCD, s11;
	_ =	sdelay $0x1  }
0xff: {  	s12 =	sshrl.u32 s12, $0xA  }
0x100: {  	s12 =	sand.u32 $0x3F, s12  }
0x101: {  	s12 =	smul.u32 $0x5, s12;
	_ =	sdelay $0x1  }
0x102: {  	s12 =	ssub.s32 s11, s12  }
0x103: {  	s12 =	sand.u32 $0xFF, s12  }
0x104: {  	s18 =	sadd.s32 $0x1, s12  }
0x105: {  	_ =	swait.ge [sflag:s18], $0xA00  }
0x106: {  	p1 =	slt.u32 s11, $0x5;
	[sflag:s18] =	ssyncset.done $0x0  }
0x107: {  	[sflag:s18] =	ssyncadd.s32 $0xFFFFF600;
	s18 =	sadd.s32 @!p1 $0x6, s12  }
0x108: {  	_ =	swait.ge @!p1 [sflag:s18], $0x1400  }
0x109: {  	s22 =	smul.u32 $0x50, s11;
	[sflag:s18] =	ssyncset.done @!p1 $0x0  }
0x10a: {  	[sflag:s18] =	ssyncadd.s32 @!p1 $0xFFFFEC00  }
0x10b: {  	v1 =	vld [tilespmem:s22+$0x4E20]  }
0x10c: {  	v2 =	vld [tilespmem:s22+$0x7530];
	_ =	sdelay $0x6  }
0x10d: {  	v3 =	vld.idx.msk [tilespmem:v1+s8+$0x0], $0xffff  }
0x10e: {  	v2 =	vld.idx.msk [tilespmem:v2+s8+$0x0], $0xffff;
	_ =	sdelay $0x2  }
0x10f: {  	v1 =	vld.idx.msk [tilespmem:v1+s17+$0x0], $0xffff;
	_ =	sdelay $0x1  }
0x110: {  	v2 =	vsub.f32 v3, v2;
	_ =	sdelay $0x1  }
0x111: {  	v2 =	vand.u32 $0x7FFFFFFF, v2  }
0x112: {  	v1 =	vmul.f32 v2, v1;
	_ =	sdelay $0x1  }
0x113: {  	v1 =	vmul.f32 $-2.000000090e-03, v1;
	_ =	sdelay $0x1  }
0x114: {  	v1 =	vmul.f32 $1.442695020e+00, v1;
	_ =	sdelay $0x1  }
0x115: {  	(erf) = vpow2.f32 v1;
	_ =	sdelay $0x8  }
0x116: {  	v1 =	vpop (erf)  }
0x117: {  	[tilespmem:$0x9C40] =	vst v1  }
0x118: {  	v1 =	vld [tilespmem:s22+$0x4E30]  }
0x119: {  	v2 =	vld [tilespmem:s22+$0x7540];
	_ =	sdelay $0x6  }
0x11a: {  	v3 =	vld.idx.msk [tilespmem:v1+s8+$0x0], $0xffff  }
0x11b: {  	v2 =	vld.idx.msk [tilespmem:v2+s8+$0x0], $0xffff;
	_ =	sdelay $0x2  }
0x11c: {  	v1 =	vld.idx.msk [tilespmem:v1+s17+$0x0], $0xffff;
	_ =	sdelay $0x1  }
0x11d: {  	v2 =	vsub.f32 v3, v2;
	_ =	sdelay $0x1  }
0x11e: {  	v2 =	vand.u32 $0x7FFFFFFF, v2  }
0x11f: {  	v1 =	vmul.f32 v2, v1;
	_ =	sdelay $0x1  }
0x120: {  	v1 =	vmul.f32 $-2.000000090e-03, v1;
	_ =	sdelay $0x1  }
0x121: {  	v1 =	vmul.f32 $1.442695020e+00, v1;
	_ =	sdelay $0x1  }
0x122: {  	(erf) = vpow2.f32 v1;
	_ =	sdelay $0x8  }
0x123: {  	v1 =	vpop (erf)  }
0x124: {  	[tilespmem:$0x9C50] =	vst v1  }
0x125: {  	v1 =	vld [tilespmem:s22+$0x4E40]  }
0x126: {  	v2 =	vld [tilespmem:s22+$0x7550];
	_ =	sdelay $0x6  }
0x127: {  	v3 =	vld.idx.msk [tilespmem:v1+s8+$0x0], $0xffff  }
0x128: {  	v2 =	vld.idx.msk [tilespmem:v2+s8+$0x0], $0xffff;
	_ =	sdelay $0x2  }
0x129: {  	v1 =	vld.idx.msk [tilespmem:v1+s17+$0x0], $0xffff;
	_ =	sdelay $0x1  }
0x12a: {  	v2 =	vsub.f32 v3, v2;
	_ =	sdelay $0x1  }
0x12b: {  	v2 =	vand.u32 $0x7FFFFFFF, v2  }
0x12c: {  	v1 =	vmul.f32 v2, v1;
	_ =	sdelay $0x1  }
0x12d: {  	v1 =	vmul.f32 $-2.000000090e-03, v1;
	_ =	sdelay $0x1  }
0x12e: {  	v1 =	vmul.f32 $1.442695020e+00, v1;
	_ =	sdelay $0x1  }
0x12f: {  	(erf) = vpow2.f32 v1;
	_ =	sdelay $0x8  }
0x130: {  	v1 =	vpop (erf)  }
0x131: {  	[tilespmem:$0x9C60] =	vst v1  }
0x132: {  	v1 =	vld [tilespmem:s22+$0x4E50]  }
0x133: {  	v2 =	vld [tilespmem:s22+$0x7560];
	_ =	sdelay $0x6  }
0x134: {  	v3 =	vld.idx.msk [tilespmem:v1+s8+$0x0], $0xffff  }
0x135: {  	v2 =	vld.idx.msk [tilespmem:v2+s8+$0x0], $0xffff;
	_ =	sdelay $0x2  }
0x136: {  	v1 =	vld.idx.msk [tilespmem:v1+s17+$0x0], $0xffff;
	_ =	sdelay $0x1  }
0x137: {  	v2 =	vsub.f32 v3, v2;
	_ =	sdelay $0x1  }
0x138: {  	v2 =	vand.u32 $0x7FFFFFFF, v2  }
0x139: {  	v1 =	vmul.f32 v2, v1;
	_ =	sdelay $0x1  }
0x13a: {  	v1 =	vmul.f32 $-2.000000090e-03, v1;
	_ =	sdelay $0x1  }
0x13b: {  	v1 =	vmul.f32 $1.442695020e+00, v1;
	_ =	sdelay $0x1  }
0x13c: {  	(erf) = vpow2.f32 v1;
	_ =	sdelay $0x8  }
0x13d: {  	v1 =	vpop (erf)  }
0x13e: {  	[tilespmem:$0x9C70] =	vst v1  }
0x13f: {  	v1 =	vld [tilespmem:s22+$0x4E60]  }
0x140: {  	v2 =	vld [tilespmem:s22+$0x7570];
	_ =	sdelay $0x6  }
0x141: {  	v3 =	vld.idx.msk [tilespmem:v1+s8+$0x0], $0xffff  }
0x142: {  	v2 =	vld.idx.msk [tilespmem:v2+s8+$0x0], $0xffff;
	_ =	sdelay $0x2  }
0x143: {  	v1 =	vld.idx.msk [tilespmem:v1+s17+$0x0], $0xffff;
	_ =	sdelay $0x1  }
0x144: {  	v2 =	vsub.f32 v3, v2;
	_ =	sdelay $0x1  }
0x145: {  	v2 =	vand.u32 $0x7FFFFFFF, v2  }
0x146: {  	v1 =	vmul.f32 v2, v1;
	_ =	sdelay $0x1  }
0x147: {  	v1 =	vmul.f32 $-2.000000090e-03, v1;
	_ =	sdelay $0x1  }
0x148: {  	v1 =	vmul.f32 $1.442695020e+00, v1;
	_ =	sdelay $0x1  }
0x149: {  	(erf) = vpow2.f32 v1;
	_ =	sdelay $0x3  }
0x14a: {  	s25 =	smulhi.u32 $0xCCCCCCCD, s11;
	_ =	sdelay $0x1  }
0x14b: {  	s18 =	sshrl.u32 s25, $0x2  }
0x14c: {  	s23 =	smul.u32 $0xFFFF3800, s18;
	_ =	sdelay $0x1  }
0x14d: {  	s23 =	sshra.s32 s23, $0x2;
	v1 =	vpop (erf)  }
0x14e: {  	s23 =	sadd.s32 s23, s5;
	[tilespmem:$0x9C80] =	vst v1  }
0x14f: {  	s24 =	simm.s32 $0x0;
	v1 =	vld [tilespmem:s23+$0x0]  }
0x150: {  	v3 =	vld.msk [tilespmem:s24+$0x9C40 ss:$0x0], $0xffff;
	_ =	sdelay $0x2  }
0x151: {  	s18 =	smul.u32 $0xFFFE7000, s18  }
0x152: {  	v2 =	vunpack.i.l.bf16.f32 v1  }
0x153: {  	s18 =	sshra.s32 s18, $0x2;
	v1 =	vunpack.i.u.bf16.f32 v1;
	v2 =	vmul.f32 v2, v3  }
0x154: {  	s24 =	sadd.s32 s18, s9;
	v1 =	vmul.f32 v1, v3  }
0x155: {  	[tilespmem:s24+$0x0] =	vst v2  }
0x156: {  	[tilespmem:s24+$0x10] =	vst v1  }
0x157: {  	v1 =	vld [tilespmem:s23+$0x10];
	_ =	sdelay $0x4  }
0x158: {  	v4 =	vunpack.i.u.bf16.f32 v1;
	v1 =	vunpack.i.l.bf16.f32 v1  }
0x159: {  	s22 =	sadd.s32 $0x7530, s22;
	s18 =	simm.s32 $0x4;
	s25 =	smov.u32 s24;
	v2 =	vmul.f32 v1, v3;
	v1 =	vmul.f32 v4, v3  }
.LBB2_19:
0x15a: {  	p1 =	sne.s32 s18, $0x13C;
	s23 =	sadd.s32 $0x20, s23;
	s24 =	sadd.s32 $0x40, s24  }
0x15b: {  	s4 =	smov.u32 s18;
	s18 =	sadd.s32 $0x4, s18;
	[tilespmem:s25+$0x20] =	vst v2  }
0x15c: {  	[tilespmem:s25+$0x30] =	vst v1;
	s25 =	smov.u32 s24  }
0x15d: {  	s4 =	sshra.s32 s4, $0x2;
	v1 =	vld [tilespmem:s23+$0x0]  }
0x15e: {  	v3 =	vld.msk [tilespmem:s4+$0x9C40 ss:$0x0], $0xffff;
	_ =	sdelay $0x4  }
0x15f: {  	v2 =	vunpack.i.u.bf16.f32 v1;
	v1 =	vunpack.i.l.bf16.f32 v1  }
0x160: {  	v1 =	vmul.f32 v1, v3;
	v2 =	vmul.f32 v2, v3;
	_ =	sdelay $0x1  }
0x161: {  	[tilespmem:s24+$0x0] =	vst v1  }
0x162: {  	[tilespmem:s24+$0x10] =	vst v2  }
0x163: {  	v1 =	vld [tilespmem:s23+$0x10];
	_ =	sdelay $0x1  }
.Ltmp11:
0x164: {  	(pc) =	sbr.rel @p1 .LBB2_19-.Ltmp11, $3  }
0x165: {  	_ =	sdelay $0x1  }
0x166: {  	v4 =	vunpack.i.u.bf16.f32 v1;
	v1 =	vunpack.i.l.bf16.f32 v1  }
0x167: {  	v2 =	vmul.f32 v1, v3;
	v1 =	vmul.f32 v4, v3  }
0x168: {  	p1 =	sgt.u32 s11, $0x79  }
0x169: {  	s4 =	sadd.s32 @!p1 $0x3, s11  }
0x16a: {  	s18 =	smul.u32 @!p1 $0xCD, s4;
	_ =	sdelay $0x1  }
0x16b: {  	s18 =	sshrl.u32 @!p1 s18, $0xA  }
0x16c: {  	s18 =	sand.u32 @!p1 $0x3F, s18  }
0x16d: {  	s18 =	smul.u32 @!p1 $0x5, s18  }
0x16e: {  	s23 =	smul.u32 $0x5000, s12;
	[tilespmem:s25+$0x20] =	vst v2  }
0x16f: {  	[tilespmem:s25+$0x30] =	vst v1;
	s25 =	sadd.s32 $0x6, s12;
	s12 =	ssub.s32 @!p1 s4, s18  }
0x170: {  	s23 =	sshrl.u32 s23, $0x2;
	s4 =	smul.u32 @!p1 $0x140, s4;
	s12 =	sand.u32 @!p1 $0xFF, s12  }
0x171: {  	s11 =	sadd.s32 $0x1, s11;
	s23 =	sadd.s32 $0xCEA0, s23;
	s18 =	smul.u32 @!p1 $0x2800, s12  }
0x172: {  	[spmem:s2] =	stream.indirect.scatter.add.f32 [tilespmem:s23], [sflag:s25], $0x40, s22, s21, $0xb8;
	[tilespmem:$0x1F5F0] =	vst v63  }
0x173: {  	s22 =	simm.s32 @!p1 $0x50;
	s4 =	sshra.s32 @!p1 s4, $0x2;
	s18 =	sshrl.u32 @!p1 s18, $0x2  }
0x174: {  	s12 =	sadd.s32 @!p1 $0x1, s12;
	s4 =	sadd.s32 @!p1 $0x4E20, s4;
	s18 =	sadd.s32 @!p1 $0x9CA0, s18  }
0x175: {  	[tilespmem:s18], [sflag:s12] =	stream.indirect.gather @!p1 [hbm4b:s7+s22], $0x20, s4, s22, $0xb8;
	[tilespmem:$0x1F5F0] =	vst v63  }
0x176: {  	p1 =	sne.s32 s11, $0x7D  }
.Ltmp12:
0x177: {  	_ = 	snop;
	(pc) =	sbr.rel @p1 .LBB2_18-.Ltmp12, $2  }
0x178: {  	_ =	sdelay $0x2  }
0x179: {  	s5 =	sadd.s32 $0xA00, s5;
	s9 =	sadd.s32 $0x1400, s9  }
0x17a: {  	_ =	swait.ge [sflag:s28], $0x1400  }
0x17b: {  	[sflag:s28] =	ssyncset.done $0x0  }
0x17c: {  	[sflag:s28] =	ssyncadd.s32 $0xFFFFEC00  }
0x17d: {  	_ =	swait.ge [sflag:s29], $0x1400  }
0x17e: {  	[sflag:s29] =	ssyncset.done $0x0  }
0x17f: {  	[sflag:s29] =	ssyncadd.s32 $0xFFFFEC00  }
0x180: {  	_ =	swait.ge [sflag:s30], $0x1400  }
0x181: {  	[sflag:s30] =	ssyncset.done $0x0  }
0x182: {  	[sflag:s30] =	ssyncadd.s32 $0xFFFFEC00  }
0x183: {  	_ =	swait.ge [sflag:s31], $0x1400  }
0x184: {  	[sflag:s31] =	ssyncset.done $0x0  }
0x185: {  	[sflag:s31] =	ssyncadd.s32 $0xFFFFEC00  }
0x186: {  	_ =	swait.ge [sflag:s0], $0x1400  }
0x187: {  	[sflag:s0] =	ssyncset.done $0x0  }
.Ltmp13:
0x188: {  	[sflag:s0] =	ssyncadd.s32 $0xFFFFEC00;
	(pc) =	sbr.rel @!p0 .LBB2_23-.Ltmp13, $4  }
0x189: {  	[bflag:$0x0] =	sbarrier.arrive $0xFFFF  }
0x18a: {  	[hbm:s15], [sflag:s19] =	dma.local [spmem:s3], $0x280  }
0x18b: {  	s5 =	sadd.s32 $0x14000, s13;
	_ =	swait.ge [sflag:s16], $0x280  }
0x18c: {  	s8 =	smov.u32 s15;
	s3 =	sadd.s32 $0xFFFFFFFF, s10;
	[sflag:s16] =	ssyncset.done $0x0  }
.LBB2_22:
0x18d: {  	s4 =	sshrl.u32 s5, $0x3  }
0x18e: {  	[sflag:s16] =	ssyncadd.s32 $0xFFFFFD80;
	s8 =	sadd.s32 $0x2800, s8;
	p0 =	sne.s32 s3, $0x1  }
0x18f: {  	[hbm:s8], [sflag:s19] =	dma.local [spmem:s4], $0x280  }
.Ltmp14:
0x190: {  	_ = 	snop;
	(pc) =	sbr.rel @p0 .LBB2_22-.Ltmp14, $4  }
0x191: {  	_ = 	snop  }
0x192: {  	s3 =	sadd.s32 $0xFFFFFFFF, s3  }
0x193: {  	_ =	swait.ge [sflag:s16], $0x280  }
0x194: {  	s5 =	sadd.s32 $0x14000, s5;
	[sflag:s16] =	ssyncset.done $0x0  }
.LBB2_23:
0x195: {  	s1 =	sadd.s32 $0x1, s1;
	s3 =	rddreg [dreg:$0x9]  }
0x196: {  	p0 =	sne.s32 s1, s3  }
.Ltmp15:
0x197: {  	_ = 	snop;
	(pc) =	sbr.rel @p0 .LBB2_1-.Ltmp15, $4  }
0x198: {  	_ = 	snop  }
0x199: {  	[sflag:s16] =	ssyncadd.s32 $0xFFFFFD80  }
0x19a: {  	[bflag:$0x0] =	sbarrier.arrive $0xFFFF  }
0x19b: {  	s25 =	simm.s32 $0x4E20  }
0x19c: {  	_ =	sfence.sel $0x180000  }
0x19d: {  	[bflag:$0x0] =	sbarrier.arrive $0xFFFF  }
0x19e: {  	_ =	strace $0x90000047  }
0x19f: {  	s0 =	stileid.u32;
	[bflag:$0x2] =	sbarrier.arrive $0xFFFF  }
0x1a0: {  	p0 =	sne.s32 s0, $0x0;
	s0 =	rddreg [dreg:$0x4]  }
0x1a1: {  	s0 =	sadd.s32 @!p0 $0x100000, s0  }
0x1a2: {  	[sflag:s0] =	ssyncadd.tile.s32 @!p0 $0x1;
	_ =	shalt  }
.Lfunc_end2:
_tile_overlayer_lowered:
.L_overlay_start_2:
0x1a3: {  	(tag) =	ssettag $0x2  }
0x1a4: {  	s0 =	rddreg [dreg:$0x0];
	s2 =	stileid.u32  }
0x1a5: {  	s1 =	rddreg [dreg:$0x1];
	p0 =	sne.s32 s2, $0x0  }
0x1a6: {  	s3 =	rddreg [dreg:$0x2];
	[bflag:$0x3] =	sbarrier.arrive $0xFFFF;
	s2 =	simm.s32 @!p0 $0x1C0B  }
0x1a7: {  	[timem:s3], [sflag:s2] =	dma.local @!p0 [hbm:s0], s1  }
0x1a8: {  	s0 =	simm.s32 @!p0 $0xB  }
0x1a9: {  	_ =	swait.ge @!p0 [sflag:s0], s1  }
0x1aa: {  	s1 =	ssub.s32 @!p0 $0x0, s1;
	[sflag:s0] =	ssyncset.done @!p0 $0x0  }
0x1ab: {  	[sflag:s0] =	ssyncadd.s32 @!p0 s1  }
0x1ac: {  	[bflag:$0x3] =	sbarrier.arrive $0xFFFF  }
0x1ad: {  	_ =	shalt  }

</sc_bundles>
